<compile_context>
chip_gen: v7x
topology: tpu7x:2x2x1
jax: 0.10.2.dev20260603
libtpu: 0.0.44.dev20260713+nightly
codegen_flags: <defaults>
</compile_context>

<pallas_src>
import functools

import jax
import jax.numpy as jnp
from jax import lax
from jax.experimental import pallas as pl
from jax.experimental.pallas import tpu as pltpu
from jax.experimental.pallas import tpu_sc as plsc

_B = 4
_S = 2048
_D = 4096
_L = 16


def _sc_body(hidden_hbm, ids_hbm, out_hbm, ids_v):
    nc = 2
    wid = lax.axis_index("s") * nc + lax.axis_index("c")

    @pl.when(wid < _B)
    def _():
        b = wid
        pltpu.sync_copy(ids_hbm.at[b], ids_v)

        lane = lax.iota(jnp.int32, _L)
        acc = jnp.full((_L,), -1, jnp.int32)
        for i in range(_S // _L):
            vals = ids_v[pl.ds(i * _L, _L)]
            key = vals * _S + (_S - 1 - i * _L - lane)
            acc = jnp.maximum(acc, key)
        best = acc[0]
        for j in range(1, _L):
            best = jnp.maximum(best, acc[j])
        idx = (_S - 1) - (best & (_S - 1))

        pltpu.sync_copy(hidden_hbm.at[b * _S + idx], out_hbm.at[b])


@jax.jit
def kernel(last_hidden_state, input_ids):
    hidden2d = last_hidden_state.reshape(_B * _S, _D)
    run = pl.kernel(
        _sc_body,
        out_type=jax.ShapeDtypeStruct((_B, _D), jnp.float32),
        mesh=plsc.VectorSubcoreMesh(core_axis_name="c", subcore_axis_name="s"),
        scratch_types=[
            pltpu.VMEM((_S,), jnp.int32),
        ],
    )
    return run(hidden2d, input_ids)

# --- scband reference (transcript-rebuilt; emitter-appended) ---
"""Pipeline reference for scband-clip-argmax-40931038331279 (READ-ONLY COPY).

The authoritative reference and input builder live on the scoring server;
editing this copy changes nothing except your own understanding.
"""

import jax, jax.numpy as jnp
import numpy as np


def setup_inputs(seed: int = 0) -> dict:
    key = jax.random.key(seed)
    k1, k2 = jax.random.split(key)
    last_hidden_state = jax.random.normal(k1, (4, 2048, 4096), dtype=jnp.float32)
    input_ids = jax.random.randint(k2, (4, 2048), 0, 49408, dtype=jnp.int64 if jax.config.read('jax_enable_x64') else jnp.int32).astype(jnp.int32)
    return {"last_hidden_state": last_hidden_state, "input_ids": input_ids}


def reference(last_hidden_state, input_ids):
    # ClipArgmax: pick the hidden state at the position of the max token id (EOS in CLIP)
    idx = jnp.argmax(input_ids.astype(jnp.int32), axis=-1)
    batch_idx = jnp.arange(last_hidden_state.shape[0])
    pooled_output = last_hidden_state[batch_idx, idx]
    return pooled_output

if __name__ == "__main__":
    import jax
    _d = setup_inputs()
    print(jax.jit(kernel)(*tuple(_d.values())))

</pallas_src>

<mosaic_0001>
#map = affine_map<(d0, d1) -> (0, 0)>
module attributes {stable_mosaic.version = 14 : i64} {
  func.func @_sc_body(%arg0: i32, %arg1: i32, %arg2: memref<8192x4096xf32, #tpu.memory_space<hbm>>, %arg3: memref<4x2048xi32, #tpu.memory_space<hbm>>, %arg4: memref<4x4096xf32, #tpu.memory_space<hbm>>, %arg5: memref<2048xi32, #tpu.memory_space<vmem>>) attributes {dimension_semantics = [#tpu.dimension_semantics<core_parallel>, #tpu.dimension_semantics<subcore_parallel>], iteration_bounds = array<i64: 2, 16>, scalar_prefetch = 0 : i64, scratch_operands = 1 : i64, tpu.core_type = #tpu.core_type<sc_vector_subcore>, window_params = [{transform_indices = #map}, {transform_indices = #map}, {transform_indices = #map}]} {
    %mul3A = arith.constant 2 : i32
    %mul3A_0 = arith.muli %arg1, %mul3A : i32
    %add3A = arith.addi %mul3A_0, %arg0 : i32
    %lt3A = arith.constant 4 : i32
    %lt3A_1 = arith.cmpi slt, %add3A, %lt3A : i32
    %convert_element_type3A = arith.extui %lt3A_1 : i1 to i32
    %cond3A = arith.constant 0 : i32
    %cond3A_2 = arith.cmpi ne, %convert_element_type3A, %cond3A : i32
    scf.if %cond3A_2 {
      "tpu.region"() ({
        %run_scoped3A = tpu.sem_alloc : memref<!tpu.dma_semaphore, #tpu.memory_space<semaphore_mem>>
        %dma_start3A = arith.constant 0 : i32
        %dma_start3A_1460 = tpu.memref_slice %arg3[%add3A, %dma_start3A] : memref<4x2048xi32, #tpu.memory_space<hbm>> -> memref<1x2048xi32, #tpu.memory_space<hbm>>
        %dma_start3A_1461 = tpu.memref_squeeze %dma_start3A_1460 : memref<1x2048xi32, #tpu.memory_space<hbm>> -> memref<2048xi32, #tpu.memory_space<hbm>>
        %dma_start3A_1462 = arith.constant 0 : i32
        %dma_start3A_1463 = tpu.memref_slice %arg3[%add3A, %dma_start3A_1462] : memref<4x2048xi32, #tpu.memory_space<hbm>> -> memref<1x2048xi32, #tpu.memory_space<hbm>>
        %dma_start3A_1464 = tpu.memref_squeeze %dma_start3A_1463 : memref<1x2048xi32, #tpu.memory_space<hbm>> -> memref<2048xi32, #tpu.memory_space<hbm>>
        tpu.enqueue_dma source(%dma_start3A_1464 : memref<2048xi32, #tpu.memory_space<hbm>>) target(%arg5 : memref<2048xi32, #tpu.memory_space<vmem>>) target_semaphore(%run_scoped3A : memref<!tpu.dma_semaphore, #tpu.memory_space<semaphore_mem>>)
        %dma_wait3A = arith.constant 0 : i32
        %dma_wait3A_1465 = tpu.memref_slice %arg3[%add3A, %dma_wait3A] : memref<4x2048xi32, #tpu.memory_space<hbm>> -> memref<1x2048xi32, #tpu.memory_space<hbm>>
        %dma_wait3A_1466 = tpu.memref_squeeze %dma_wait3A_1465 : memref<1x2048xi32, #tpu.memory_space<hbm>> -> memref<2048xi32, #tpu.memory_space<hbm>>
        %dma_wait3A_1467 = arith.constant 0 : i32
        %dma_wait3A_1468 = tpu.memref_slice %arg3[%add3A, %dma_wait3A_1467] : memref<4x2048xi32, #tpu.memory_space<hbm>> -> memref<1x2048xi32, #tpu.memory_space<hbm>>
        %dma_wait3A_1469 = tpu.memref_squeeze %dma_wait3A_1468 : memref<1x2048xi32, #tpu.memory_space<hbm>> -> memref<2048xi32, #tpu.memory_space<hbm>>
        tpu.wait_dma2 semaphore(%run_scoped3A : memref<!tpu.dma_semaphore, #tpu.memory_space<semaphore_mem>>) src(%dma_wait3A_1469 : memref<2048xi32, #tpu.memory_space<hbm>>) dst(%arg5 : memref<2048xi32, #tpu.memory_space<vmem>>)
        tpu.yield
      }) : () -> ()
      %iota3A = tpu.iota {dimensions = array<i32: 0>} : vector<16xi32>
      %broadcast_in_dim3A = arith.constant -1 : i32
      %broadcast_in_dim3A_3 = vector.broadcast %broadcast_in_dim3A : i32 to vector<16xi32>
      %get3A = arith.constant 0 : index
      %get3A_4 = tpu.vector_load %arg5[%get3A] {strides = array<i32>} : memref<2048xi32, #tpu.memory_space<vmem>>, vector<16xi32>,
      %get3A_5 = vector.shape_cast %get3A_4 : vector<16xi32> to vector<16xi32>
      %mul3A_6 = arith.constant 2048 : i32
      %mul3A_7 = vector.broadcast %mul3A_6 : i32 to vector<16xi32>
      %mul3A_8 = arith.muli %get3A_5, %mul3A_7 : vector<16xi32>
      %sub3A = arith.constant 2047 : i32
      %sub3A_9 = vector.broadcast %sub3A : i32 to vector<16xi32>
      %sub3A_10 = arith.subi %sub3A_9, %iota3A : vector<16xi32>
      %add3A_11 = arith.addi %mul3A_8, %sub3A_10 : vector<16xi32>
      %max3A = arith.maxsi %broadcast_in_dim3A_3, %add3A_11 : vector<16xi32>
      %get3A_12 = arith.constant 16 : index
      %get3A_13 = tpu.vector_load %arg5[%get3A_12] {strides = array<i32>} : memref<2048xi32, #tpu.memory_space<vmem>>, vector<16xi32>,
      %get3A_14 = vector.shape_cast %get3A_13 : vector<16xi32> to vector<16xi32>
      %mul3A_15 = arith.constant 2048 : i32
      %mul3A_16 = vector.broadcast %mul3A_15 : i32 to vector<16xi32>
      %mul3A_17 = arith.muli %get3A_14, %mul3A_16 : vector<16xi32>
      %sub3A_18 = arith.constant 2031 : i32
      %sub3A_19 = vector.broadcast %sub3A_18 : i32 to vector<16xi32>
      %sub3A_20 = arith.subi %sub3A_19, %iota3A : vector<16xi32>
      %add3A_21 = arith.addi %mul3A_17, %sub3A_20 : vector<16xi32>
      %max3A_22 = arith.maxsi %max3A, %add3A_21 : vector<16xi32>
      %get3A_23 = arith.constant 32 : index
      %get3A_24 = tpu.vector_load %arg5[%get3A_23] {strides = array<i32>} : memref<2048xi32, #tpu.memory_space<vmem>>, vector<16xi32>,
      %get3A_25 = vector.shape_cast %get3A_24 : vector<16xi32> to vector<16xi32>
      %mul3A_26 = arith.constant 2048 : i32
      %mul3A_27 = vector.broadcast %mul3A_26 : i32 to vector<16xi32>
      %mul3A_28 = arith.muli %get3A_25, %mul3A_27 : vector<16xi32>
      %sub3A_29 = arith.constant 2015 : i32
      %sub3A_30 = vector.broadcast %sub3A_29 : i32 to vector<16xi32>
      %sub3A_31 = arith.subi %sub3A_30, %iota3A : vector<16xi32>
      %add3A_32 = arith.addi %mul3A_28, %sub3A_31 : vector<16xi32>
      %max3A_33 = arith.maxsi %max3A_22, %add3A_32 : vector<16xi32>
      %get3A_34 = arith.constant 48 : index
      %get3A_35 = tpu.vector_load %arg5[%get3A_34] {strides = array<i32>} : memref<2048xi32, #tpu.memory_space<vmem>>, vector<16xi32>,
      %get3A_36 = vector.shape_cast %get3A_35 : vector<16xi32> to vector<16xi32>
      %mul3A_37 = arith.constant 2048 : i32
      %mul3A_38 = vector.broadcast %mul3A_37 : i32 to vector<16xi32>
      %mul3A_39 = arith.muli %get3A_36, %mul3A_38 : vector<16xi32>
      %sub3A_40 = arith.constant 1999 : i32
      %sub3A_41 = vector.broadcast %sub3A_40 : i32 to vector<16xi32>
      %sub3A_42 = arith.subi %sub3A_41, %iota3A : vector<16xi32>
      %add3A_43 = arith.addi %mul3A_39, %sub3A_42 : vector<16xi32>
      %max3A_44 = arith.maxsi %max3A_33, %add3A_43 : vector<16xi32>
      %get3A_45 = arith.constant 64 : index
      %get3A_46 = tpu.vector_load %arg5[%get3A_45] {strides = array<i32>} : memref<2048xi32, #tpu.memory_space<vmem>>, vector<16xi32>,
      %get3A_47 = vector.shape_cast %get3A_46 : vector<16xi32> to vector<16xi32>
      %mul3A_48 = arith.constant 2048 : i32
      %mul3A_49 = vector.broadcast %mul3A_48 : i32 to vector<16xi32>
      %mul3A_50 = arith.muli %get3A_47, %mul3A_49 : vector<16xi32>
      %sub3A_51 = arith.constant 1983 : i32
      %sub3A_52 = vector.broadcast %sub3A_51 : i32 to vector<16xi32>
      %sub3A_53 = arith.subi %sub3A_52, %iota3A : vector<16xi32>
      %add3A_54 = arith.addi %mul3A_50, %sub3A_53 : vector<16xi32>
      %max3A_55 = arith.maxsi %max3A_44, %add3A_54 : vector<16xi32>
      %get3A_56 = arith.constant 80 : index
      %get3A_57 = tpu.vector_load %arg5[%get3A_56] {strides = array<i32>} : memref<2048xi32, #tpu.memory_space<vmem>>, vector<16xi32>,
      %get3A_58 = vector.shape_cast %get3A_57 : vector<16xi32> to vector<16xi32>
      %mul3A_59 = arith.constant 2048 : i32
      %mul3A_60 = vector.broadcast %mul3A_59 : i32 to vector<16xi32>
      %mul3A_61 = arith.muli %get3A_58, %mul3A_60 : vector<16xi32>
      %sub3A_62 = arith.constant 1967 : i32
      %sub3A_63 = vector.broadcast %sub3A_62 : i32 to vector<16xi32>
      %sub3A_64 = arith.subi %sub3A_63, %iota3A : vector<16xi32>
      %add3A_65 = arith.addi %mul3A_61, %sub3A_64 : vector<16xi32>
      %max3A_66 = arith.maxsi %max3A_55, %add3A_65 : vector<16xi32>
      %get3A_67 = arith.constant 96 : index
      %get3A_68 = tpu.vector_load %arg5[%get3A_67] {strides = array<i32>} : memref<2048xi32, #tpu.memory_space<vmem>>, vector<16xi32>,
      %get3A_69 = vector.shape_cast %get3A_68 : vector<16xi32> to vector<16xi32>
      %mul3A_70 = arith.constant 2048 : i32
      %mul3A_71 = vector.broadcast %mul3A_70 : i32 to vector<16xi32>
      %mul3A_72 = arith.muli %get3A_69, %mul3A_71 : vector<16xi32>
      %sub3A_73 = arith.constant 1951 : i32
      %sub3A_74 = vector.broadcast %sub3A_73 : i32 to vector<16xi32>
      %sub3A_75 = arith.subi %sub3A_74, %iota3A : vector<16xi32>
      %add3A_76 = arith.addi %mul3A_72, %sub3A_75 : vector<16xi32>
      %max3A_77 = arith.maxsi %max3A_66, %add3A_76 : vector<16xi32>
      %get3A_78 = arith.constant 112 : index
      %get3A_79 = tpu.vector_load %arg5[%get3A_78] {strides = array<i32>} : memref<2048xi32, #tpu.memory_space<vmem>>, vector<16xi32>,
      %get3A_80 = vector.shape_cast %get3A_79 : vector<16xi32> to vector<16xi32>
      %mul3A_81 = arith.constant 2048 : i32
      %mul3A_82 = vector.broadcast %mul3A_81 : i32 to vector<16xi32>
      %mul3A_83 = arith.muli %get3A_80, %mul3A_82 : vector<16xi32>
      %sub3A_84 = arith.constant 1935 : i32
      %sub3A_85 = vector.broadcast %sub3A_84 : i32 to vector<16xi32>
      %sub3A_86 = arith.subi %sub3A_85, %iota3A : vector<16xi32>
      %add3A_87 = arith.addi %mul3A_83, %sub3A_86 : vector<16xi32>
      %max3A_88 = arith.maxsi %max3A_77, %add3A_87 : vector<16xi32>
      %get3A_89 = arith.constant 128 : index
      %get3A_90 = tpu.vector_load %arg5[%get3A_89] {strides = array<i32>} : memref<2048xi32, #tpu.memory_space<vmem>>, vector<16xi32>,
      %get3A_91 = vector.shape_cast %get3A_90 : vector<16xi32> to vector<16xi32>
      %mul3A_92 = arith.constant 2048 : i32
      %mul3A_93 = vector.broadcast %mul3A_92 : i32 to vector<16xi32>
      %mul3A_94 = arith.muli %get3A_91, %mul3A_93 : vector<16xi32>
      %sub3A_95 = arith.constant 1919 : i32
      %sub3A_96 = vector.broadcast %sub3A_95 : i32 to vector<16xi32>
      %sub3A_97 = arith.subi %sub3A_96, %iota3A : vector<16xi32>
      %add3A_98 = arith.addi %mul3A_94, %sub3A_97 : vector<16xi32>
      %max3A_99 = arith.maxsi %max3A_88, %add3A_98 : vector<16xi32>
      %get3A_100 = arith.constant 144 : index
      %get3A_101 = tpu.vector_load %arg5[%get3A_100] {strides = array<i32>} : memref<2048xi32, #tpu.memory_space<vmem>>, vector<16xi32>,
      %get3A_102 = vector.shape_cast %get3A_101 : vector<16xi32> to vector<16xi32>
      %mul3A_103 = arith.constant 2048 : i32
      %mul3A_104 = vector.broadcast %mul3A_103 : i32 to vector<16xi32>
      %mul3A_105 = arith.muli %get3A_102, %mul3A_104 : vector<16xi32>
      %sub3A_106 = arith.constant 1903 : i32
      %sub3A_107 = vector.broadcast %sub3A_106 : i32 to vector<16xi32>
      %sub3A_108 = arith.subi %sub3A_107, %iota3A : vector<16xi32>
      %add3A_109 = arith.addi %mul3A_105, %sub3A_108 : vector<16xi32>
      %max3A_110 = arith.maxsi %max3A_99, %add3A_109 : vector<16xi32>
      %get3A_111 = arith.constant 160 : index
      %get3A_112 = tpu.vector_load %arg5[%get3A_111] {strides = array<i32>} : memref<2048xi32, #tpu.memory_space<vmem>>, vector<16xi32>,
      %get3A_113 = vector.shape_cast %get3A_112 : vector<16xi32> to vector<16xi32>
      %mul3A_114 = arith.constant 2048 : i32
      %mul3A_115 = vector.broadcast %mul3A_114 : i32 to vector<16xi32>
      %mul3A_116 = arith.muli %get3A_113, %mul3A_115 : vector<16xi32>
      %sub3A_117 = arith.constant 1887 : i32
      %sub3A_118 = vector.broadcast %sub3A_117 : i32 to vector<16xi32>
      %sub3A_119 = arith.subi %sub3A_118, %iota3A : vector<16xi32>
      %add3A_120 = arith.addi %mul3A_116, %sub3A_119 : vector<16xi32>
      %max3A_121 = arith.maxsi %max3A_110, %add3A_120 : vector<16xi32>
      %get3A_122 = arith.constant 176 : index
      %get3A_123 = tpu.vector_load %arg5[%get3A_122] {strides = array<i32>} : memref<2048xi32, #tpu.memory_space<vmem>>, vector<16xi32>,
      %get3A_124 = vector.shape_cast %get3A_123 : vector<16xi32> to vector<16xi32>
      %mul3A_125 = arith.constant 2048 : i32
      %mul3A_126 = vector.broadcast %mul3A_125 : i32 to vector<16xi32>
      %mul3A_127 = arith.muli %get3A_124, %mul3A_126 : vector<16xi32>
      %sub3A_128 = arith.constant 1871 : i32
      %sub3A_129 = vector.broadcast %sub3A_128 : i32 to vector<16xi32>
      %sub3A_130 = arith.subi %sub3A_129, %iota3A : vector<16xi32>
      %add3A_131 = arith.addi %mul3A_127, %sub3A_130 : vector<16xi32>
      %max3A_132 = arith.maxsi %max3A_121, %add3A_131 : vector<16xi32>
      %get3A_133 = arith.constant 192 : index
      %get3A_134 = tpu.vector_load %arg5[%get3A_133] {strides = array<i32>} : memref<2048xi32, #tpu.memory_space<vmem>>, vector<16xi32>,
      %get3A_135 = vector.shape_cast %get3A_134 : vector<16xi32> to vector<16xi32>
      %mul3A_136 = arith.constant 2048 : i32
      %mul3A_137 = vector.broadcast %mul3A_136 : i32 to vector<16xi32>
      %mul3A_138 = arith.muli %get3A_135, %mul3A_137 : vector<16xi32>
      %sub3A_139 = arith.constant 1855 : i32
      %sub3A_140 = vector.broadcast %sub3A_139 : i32 to vector<16xi32>
      %sub3A_141 = arith.subi %sub3A_140, %iota3A : vector<16xi32>
      %add3A_142 = arith.addi %mul3A_138, %sub3A_141 : vector<16xi32>
      %max3A_143 = arith.maxsi %max3A_132, %add3A_142 : vector<16xi32>
      %get3A_144 = arith.constant 208 : index
      %get3A_145 = tpu.vector_load %arg5[%get3A_144] {strides = array<i32>} : memref<2048xi32, #tpu.memory_space<vmem>>, vector<16xi32>,
      %get3A_146 = vector.shape_cast %get3A_145 : vector<16xi32> to vector<16xi32>
      %mul3A_147 = arith.constant 2048 : i32
      %mul3A_148 = vector.broadcast %mul3A_147 : i32 to vector<16xi32>
      %mul3A_149 = arith.muli %get3A_146, %mul3A_148 : vector<16xi32>
      %sub3A_150 = arith.constant 1839 : i32
      %sub3A_151 = vector.broadcast %sub3A_150 : i32 to vector<16xi32>
      %sub3A_152 = arith.subi %sub3A_151, %iota3A : vector<16xi32>
      %add3A_153 = arith.addi %mul3A_149, %sub3A_152 : vector<16xi32>
      %max3A_154 = arith.maxsi %max3A_143, %add3A_153 : vector<16xi32>
      %get3A_155 = arith.constant 224 : index
      %get3A_156 = tpu.vector_load %arg5[%get3A_155] {strides = array<i32>} : memref<2048xi32, #tpu.memory_space<vmem>>, vector<16xi32>,
      %get3A_157 = vector.shape_cast %get3A_156 : vector<16xi32> to vector<16xi32>
      %mul3A_158 = arith.constant 2048 : i32
      %mul3A_159 = vector.broadcast %mul3A_158 : i32 to vector<16xi32>
      %mul3A_160 = arith.muli %get3A_157, %mul3A_159 : vector<16xi32>
      %sub3A_161 = arith.constant 1823 : i32
      %sub3A_162 = vector.broadcast %sub3A_161 : i32 to vector<16xi32>
      %sub3A_163 = arith.subi %sub3A_162, %iota3A : vector<16xi32>
      %add3A_164 = arith.addi %mul3A_160, %sub3A_163 : vector<16xi32>
      %max3A_165 = arith.maxsi %max3A_154, %add3A_164 : vector<16xi32>
      %get3A_166 = arith.constant 240 : index
      %get3A_167 = tpu.vector_load %arg5[%get3A_166] {strides = array<i32>} : memref<2048xi32, #tpu.memory_space<vmem>>, vector<16xi32>,
      %get3A_168 = vector.shape_cast %get3A_167 : vector<16xi32> to vector<16xi32>
      %mul3A_169 = arith.constant 2048 : i32
      %mul3A_170 = vector.broadcast %mul3A_169 : i32 to vector<16xi32>
      %mul3A_171 = arith.muli %get3A_168, %mul3A_170 : vector<16xi32>
      %sub3A_172 = arith.constant 1807 : i32
      %sub3A_173 = vector.broadcast %sub3A_172 : i32 to vector<16xi32>
      %sub3A_174 = arith.subi %sub3A_173, %iota3A : vector<16xi32>
      %add3A_175 = arith.addi %mul3A_171, %sub3A_174 : vector<16xi32>
      %max3A_176 = arith.maxsi %max3A_165, %add3A_175 : vector<16xi32>
      %get3A_177 = arith.constant 256 : index
      %get3A_178 = tpu.vector_load %arg5[%get3A_177] {strides = array<i32>} : memref<2048xi32, #tpu.memory_space<vmem>>, vector<16xi32>,
      %get3A_179 = vector.shape_cast %get3A_178 : vector<16xi32> to vector<16xi32>
      %mul3A_180 = arith.constant 2048 : i32
      %mul3A_181 = vector.broadcast %mul3A_180 : i32 to vector<16xi32>
      %mul3A_182 = arith.muli %get3A_179, %mul3A_181 : vector<16xi32>
      %sub3A_183 = arith.constant 1791 : i32
      %sub3A_184 = vector.broadcast %sub3A_183 : i32 to vector<16xi32>
      %sub3A_185 = arith.subi %sub3A_184, %iota3A : vector<16xi32>
      %add3A_186 = arith.addi %mul3A_182, %sub3A_185 : vector<16xi32>
      %max3A_187 = arith.maxsi %max3A_176, %add3A_186 : vector<16xi32>
      %get3A_188 = arith.constant 272 : index
      %get3A_189 = tpu.vector_load %arg5[%get3A_188] {strides = array<i32>} : memref<2048xi32, #tpu.memory_space<vmem>>, vector<16xi32>,
      %get3A_190 = vector.shape_cast %get3A_189 : vector<16xi32> to vector<16xi32>
      %mul3A_191 = arith.constant 2048 : i32
      %mul3A_192 = vector.broadcast %mul3A_191 : i32 to vector<16xi32>
      %mul3A_193 = arith.muli %get3A_190, %mul3A_192 : vector<16xi32>
      %sub3A_194 = arith.constant 1775 : i32
      %sub3A_195 = vector.broadcast %sub3A_194 : i32 to vector<16xi32>
      %sub3A_196 = arith.subi %sub3A_195, %iota3A : vector<16xi32>
      %add3A_197 = arith.addi %mul3A_193, %sub3A_196 : vector<16xi32>
      %max3A_198 = arith.maxsi %max3A_187, %add3A_197 : vector<16xi32>
      %get3A_199 = arith.constant 288 : index
      %get3A_200 = tpu.vector_load %arg5[%get3A_199] {strides = array<i32>} : memref<2048xi32, #tpu.memory_space<vmem>>, vector<16xi32>,
      %get3A_201 = vector.shape_cast %get3A_200 : vector<16xi32> to vector<16xi32>
      %mul3A_202 = arith.constant 2048 : i32
      %mul3A_203 = vector.broadcast %mul3A_202 : i32 to vector<16xi32>
      %mul3A_204 = arith.muli %get3A_201, %mul3A_203 : vector<16xi32>
      %sub3A_205 = arith.constant 1759 : i32
      %sub3A_206 = vector.broadcast %sub3A_205 : i32 to vector<16xi32>
      %sub3A_207 = arith.subi %sub3A_206, %iota3A : vector<16xi32>
      %add3A_208 = arith.addi %mul3A_204, %sub3A_207 : vector<16xi32>
      %max3A_209 = arith.maxsi %max3A_198, %add3A_208 : vector<16xi32>
      %get3A_210 = arith.constant 304 : index
      %get3A_211 = tpu.vector_load %arg5[%get3A_210] {strides = array<i32>} : memref<2048xi32, #tpu.memory_space<vmem>>, vector<16xi32>,
      %get3A_212 = vector.shape_cast %get3A_211 : vector<16xi32> to vector<16xi32>
      %mul3A_213 = arith.constant 2048 : i32
      %mul3A_214 = vector.broadcast %mul3A_213 : i32 to vector<16xi32>
      %mul3A_215 = arith.muli %get3A_212, %mul3A_214 : vector<16xi32>
      %sub3A_216 = arith.constant 1743 : i32
      %sub3A_217 = vector.broadcast %sub3A_216 : i32 to vector<16xi32>
      %sub3A_218 = arith.subi %sub3A_217, %iota3A : vector<16xi32>
      %add3A_219 = arith.addi %mul3A_215, %sub3A_218 : vector<16xi32>
      %max3A_220 = arith.maxsi %max3A_209, %add3A_219 : vector<16xi32>
      %get3A_221 = arith.constant 320 : index
      %get3A_222 = tpu.vector_load %arg5[%get3A_221] {strides = array<i32>} : memref<2048xi32, #tpu.memory_space<vmem>>, vector<16xi32>,
      %get3A_223 = vector.shape_cast %get3A_222 : vector<16xi32> to vector<16xi32>
      %mul3A_224 = arith.constant 2048 : i32
      %mul3A_225 = vector.broadcast %mul3A_224 : i32 to vector<16xi32>
      %mul3A_226 = arith.muli %get3A_223, %mul3A_225 : vector<16xi32>
      %sub3A_227 = arith.constant 1727 : i32
      %sub3A_228 = vector.broadcast %sub3A_227 : i32 to vector<16xi32>
      %sub3A_229 = arith.subi %sub3A_228, %iota3A : vector<16xi32>
      %add3A_230 = arith.addi %mul3A_226, %sub3A_229 : vector<16xi32>
      %max3A_231 = arith.maxsi %max3A_220, %add3A_230 : vector<16xi32>
      %get3A_232 = arith.constant 336 : index
      %get3A_233 = tpu.vector_load %arg5[%get3A_232] {strides = array<i32>} : memref<2048xi32, #tpu.memory_space<vmem>>, vector<16xi32>,
      %get3A_234 = vector.shape_cast %get3A_233 : vector<16xi32> to vector<16xi32>
      %mul3A_235 = arith.constant 2048 : i32
      %mul3A_236 = vector.broadcast %mul3A_235 : i32 to vector<16xi32>
      %mul3A_237 = arith.muli %get3A_234, %mul3A_236 : vector<16xi32>
      %sub3A_238 = arith.constant 1711 : i32
      %sub3A_239 = vector.broadcast %sub3A_238 : i32 to vector<16xi32>
      %sub3A_240 = arith.subi %sub3A_239, %iota3A : vector<16xi32>
      %add3A_241 = arith.addi %mul3A_237, %sub3A_240 : vector<16xi32>
      %max3A_242 = arith.maxsi %max3A_231, %add3A_241 : vector<16xi32>
      %get3A_243 = arith.constant 352 : index
      %get3A_244 = tpu.vector_load %arg5[%get3A_243] {strides = array<i32>} : memref<2048xi32, #tpu.memory_space<vmem>>, vector<16xi32>,
      %get3A_245 = vector.shape_cast %get3A_244 : vector<16xi32> to vector<16xi32>
      %mul3A_246 = arith.constant 2048 : i32
      %mul3A_247 = vector.broadcast %mul3A_246 : i32 to vector<16xi32>
      %mul3A_248 = arith.muli %get3A_245, %mul3A_247 : vector<16xi32>
      %sub3A_249 = arith.constant 1695 : i32
      %sub3A_250 = vector.broadcast %sub3A_249 : i32 to vector<16xi32>
      %sub3A_251 = arith.subi %sub3A_250, %iota3A : vector<16xi32>
      %add3A_252 = arith.addi %mul3A_248, %sub3A_251 : vector<16xi32>
      %max3A_253 = arith.maxsi %max3A_242, %add3A_252 : vector<16xi32>
      %get3A_254 = arith.constant 368 : index
      %get3A_255 = tpu.vector_load %arg5[%get3A_254] {strides = array<i32>} : memref<2048xi32, #tpu.memory_space<vmem>>, vector<16xi32>,
      %get3A_256 = vector.shape_cast %get3A_255 : vector<16xi32> to vector<16xi32>
      %mul3A_257 = arith.constant 2048 : i32
      %mul3A_258 = vector.broadcast %mul3A_257 : i32 to vector<16xi32>
      %mul3A_259 = arith.muli %get3A_256, %mul3A_258 : vector<16xi32>
      %sub3A_260 = arith.constant 1679 : i32
      %sub3A_261 = vector.broadcast %sub3A_260 : i32 to vector<16xi32>
      %sub3A_262 = arith.subi %sub3A_261, %iota3A : vector<16xi32>
      %add3A_263 = arith.addi %mul3A_259, %sub3A_262 : vector<16xi32>
      %max3A_264 = arith.maxsi %max3A_253, %add3A_263 : vector<16xi32>
      %get3A_265 = arith.constant 384 : index
      %get3A_266 = tpu.vector_load %arg5[%get3A_265] {strides = array<i32>} : memref<2048xi32, #tpu.memory_space<vmem>>, vector<16xi32>,
      %get3A_267 = vector.shape_cast %get3A_266 : vector<16xi32> to vector<16xi32>
      %mul3A_268 = arith.constant 2048 : i32
      %mul3A_269 = vector.broadcast %mul3A_268 : i32 to vector<16xi32>
      %mul3A_270 = arith.muli %get3A_267, %mul3A_269 : vector<16xi32>
      %sub3A_271 = arith.constant 1663 : i32
      %sub3A_272 = vector.broadcast %sub3A_271 : i32 to vector<16xi32>
      %sub3A_273 = arith.subi %sub3A_272, %iota3A : vector<16xi32>
      %add3A_274 = arith.addi %mul3A_270, %sub3A_273 : vector<16xi32>
      %max3A_275 = arith.maxsi %max3A_264, %add3A_274 : vector<16xi32>
      %get3A_276 = arith.constant 400 : index
      %get3A_277 = tpu.vector_load %arg5[%get3A_276] {strides = array<i32>} : memref<2048xi32, #tpu.memory_space<vmem>>, vector<16xi32>,
      %get3A_278 = vector.shape_cast %get3A_277 : vector<16xi32> to vector<16xi32>
      %mul3A_279 = arith.constant 2048 : i32
      %mul3A_280 = vector.broadcast %mul3A_279 : i32 to vector<16xi32>
      %mul3A_281 = arith.muli %get3A_278, %mul3A_280 : vector<16xi32>
      %sub3A_282 = arith.constant 1647 : i32
      %sub3A_283 = vector.broadcast %sub3A_282 : i32 to vector<16xi32>
      %sub3A_284 = arith.subi %sub3A_283, %iota3A : vector<16xi32>
      %add3A_285 = arith.addi %mul3A_281, %sub3A_284 : vector<16xi32>
      %max3A_286 = arith.maxsi %max3A_275, %add3A_285 : vector<16xi32>
      %get3A_287 = arith.constant 416 : index
      %get3A_288 = tpu.vector_load %arg5[%get3A_287] {strides = array<i32>} : memref<2048xi32, #tpu.memory_space<vmem>>, vector<16xi32>,
      %get3A_289 = vector.shape_cast %get3A_288 : vector<16xi32> to vector<16xi32>
      %mul3A_290 = arith.constant 2048 : i32
      %mul3A_291 = vector.broadcast %mul3A_290 : i32 to vector<16xi32>
      %mul3A_292 = arith.muli %get3A_289, %mul3A_291 : vector<16xi32>
      %sub3A_293 = arith.constant 1631 : i32
      %sub3A_294 = vector.broadcast %sub3A_293 : i32 to vector<16xi32>
      %sub3A_295 = arith.subi %sub3A_294, %iota3A : vector<16xi32>
      %add3A_296 = arith.addi %mul3A_292, %sub3A_295 : vector<16xi32>
      %max3A_297 = arith.maxsi %max3A_286, %add3A_296 : vector<16xi32>
      %get3A_298 = arith.constant 432 : index
      %get3A_299 = tpu.vector_load %arg5[%get3A_298] {strides = array<i32>} : memref<2048xi32, #tpu.memory_space<vmem>>, vector<16xi32>,
      %get3A_300 = vector.shape_cast %get3A_299 : vector<16xi32> to vector<16xi32>
      %mul3A_301 = arith.constant 2048 : i32
      %mul3A_302 = vector.broadcast %mul3A_301 : i32 to vector<16xi32>
      %mul3A_303 = arith.muli %get3A_300, %mul3A_302 : vector<16xi32>
      %sub3A_304 = arith.constant 1615 : i32
      %sub3A_305 = vector.broadcast %sub3A_304 : i32 to vector<16xi32>
      %sub3A_306 = arith.subi %sub3A_305, %iota3A : vector<16xi32>
      %add3A_307 = arith.addi %mul3A_303, %sub3A_306 : vector<16xi32>
      %max3A_308 = arith.maxsi %max3A_297, %add3A_307 : vector<16xi32>
      %get3A_309 = arith.constant 448 : index
      %get3A_310 = tpu.vector_load %arg5[%get3A_309] {strides = array<i32>} : memref<2048xi32, #tpu.memory_space<vmem>>, vector<16xi32>,
      %get3A_311 = vector.shape_cast %get3A_310 : vector<16xi32> to vector<16xi32>
      %mul3A_312 = arith.constant 2048 : i32
      %mul3A_313 = vector.broadcast %mul3A_312 : i32 to vector<16xi32>
      %mul3A_314 = arith.muli %get3A_311, %mul3A_313 : vector<16xi32>
      %sub3A_315 = arith.constant 1599 : i32
      %sub3A_316 = vector.broadcast %sub3A_315 : i32 to vector<16xi32>
      %sub3A_317 = arith.subi %sub3A_316, %iota3A : vector<16xi32>
      %add3A_318 = arith.addi %mul3A_314, %sub3A_317 : vector<16xi32>
      %max3A_319 = arith.maxsi %max3A_308, %add3A_318 : vector<16xi32>
      %get3A_320 = arith.constant 464 : index
      %get3A_321 = tpu.vector_load %arg5[%get3A_320] {strides = array<i32>} : memref<2048xi32, #tpu.memory_space<vmem>>, vector<16xi32>,
      %get3A_322 = vector.shape_cast %get3A_321 : vector<16xi32> to vector<16xi32>
      %mul3A_323 = arith.constant 2048 : i32
      %mul3A_324 = vector.broadcast %mul3A_323 : i32 to vector<16xi32>
      %mul3A_325 = arith.muli %get3A_322, %mul3A_324 : vector<16xi32>
      %sub3A_326 = arith.constant 1583 : i32
      %sub3A_327 = vector.broadcast %sub3A_326 : i32 to vector<16xi32>
      %sub3A_328 = arith.subi %sub3A_327, %iota3A : vector<16xi32>
      %add3A_329 = arith.addi %mul3A_325, %sub3A_328 : vector<16xi32>
      %max3A_330 = arith.maxsi %max3A_319, %add3A_329 : vector<16xi32>
      %get3A_331 = arith.constant 480 : index
      %get3A_332 = tpu.vector_load %arg5[%get3A_331] {strides = array<i32>} : memref<2048xi32, #tpu.memory_space<vmem>>, vector<16xi32>,
      %get3A_333 = vector.shape_cast %get3A_332 : vector<16xi32> to vector<16xi32>
      %mul3A_334 = arith.constant 2048 : i32
      %mul3A_335 = vector.broadcast %mul3A_334 : i32 to vector<16xi32>
      %mul3A_336 = arith.muli %get3A_333, %mul3A_335 : vector<16xi32>
      %sub3A_337 = arith.constant 1567 : i32
      %sub3A_338 = vector.broadcast %sub3A_337 : i32 to vector<16xi32>
      %sub3A_339 = arith.subi %sub3A_338, %iota3A : vector<16xi32>
      %add3A_340 = arith.addi %mul3A_336, %sub3A_339 : vector<16xi32>
      %max3A_341 = arith.maxsi %max3A_330, %add3A_340 : vector<16xi32>
      %get3A_342 = arith.constant 496 : index
      %get3A_343 = tpu.vector_load %arg5[%get3A_342] {strides = array<i32>} : memref<2048xi32, #tpu.memory_space<vmem>>, vector<16xi32>,
      %get3A_344 = vector.shape_cast %get3A_343 : vector<16xi32> to vector<16xi32>
      %mul3A_345 = arith.constant 2048 : i32
      %mul3A_346 = vector.broadcast %mul3A_345 : i32 to vector<16xi32>
      %mul3A_347 = arith.muli %get3A_344, %mul3A_346 : vector<16xi32>
      %sub3A_348 = arith.constant 1551 : i32
      %sub3A_349 = vector.broadcast %sub3A_348 : i32 to vector<16xi32>
      %sub3A_350 = arith.subi %sub3A_349, %iota3A : vector<16xi32>
      %add3A_351 = arith.addi %mul3A_347, %sub3A_350 : vector<16xi32>
      %max3A_352 = arith.maxsi %max3A_341, %add3A_351 : vector<16xi32>
      %get3A_353 = arith.constant 512 : index
      %get3A_354 = tpu.vector_load %arg5[%get3A_353] {strides = array<i32>} : memref<2048xi32, #tpu.memory_space<vmem>>, vector<16xi32>,
      %get3A_355 = vector.shape_cast %get3A_354 : vector<16xi32> to vector<16xi32>
      %mul3A_356 = arith.constant 2048 : i32
      %mul3A_357 = vector.broadcast %mul3A_356 : i32 to vector<16xi32>
      %mul3A_358 = arith.muli %get3A_355, %mul3A_357 : vector<16xi32>
      %sub3A_359 = arith.constant 1535 : i32
      %sub3A_360 = vector.broadcast %sub3A_359 : i32 to vector<16xi32>
      %sub3A_361 = arith.subi %sub3A_360, %iota3A : vector<16xi32>
      %add3A_362 = arith.addi %mul3A_358, %sub3A_361 : vector<16xi32>
      %max3A_363 = arith.maxsi %max3A_352, %add3A_362 : vector<16xi32>
      %get3A_364 = arith.constant 528 : index
      %get3A_365 = tpu.vector_load %arg5[%get3A_364] {strides = array<i32>} : memref<2048xi32, #tpu.memory_space<vmem>>, vector<16xi32>,
      %get3A_366 = vector.shape_cast %get3A_365 : vector<16xi32> to vector<16xi32>
      %mul3A_367 = arith.constant 2048 : i32
      %mul3A_368 = vector.broadcast %mul3A_367 : i32 to vector<16xi32>
      %mul3A_369 = arith.muli %get3A_366, %mul3A_368 : vector<16xi32>
      %sub3A_370 = arith.constant 1519 : i32
      %sub3A_371 = vector.broadcast %sub3A_370 : i32 to vector<16xi32>
      %sub3A_372 = arith.subi %sub3A_371, %iota3A : vector<16xi32>
      %add3A_373 = arith.addi %mul3A_369, %sub3A_372 : vector<16xi32>
      %max3A_374 = arith.maxsi %max3A_363, %add3A_373 : vector<16xi32>
      %get3A_375 = arith.constant 544 : index
      %get3A_376 = tpu.vector_load %arg5[%get3A_375] {strides = array<i32>} : memref<2048xi32, #tpu.memory_space<vmem>>, vector<16xi32>,
      %get3A_377 = vector.shape_cast %get3A_376 : vector<16xi32> to vector<16xi32>
      %mul3A_378 = arith.constant 2048 : i32
      %mul3A_379 = vector.broadcast %mul3A_378 : i32 to vector<16xi32>
      %mul3A_380 = arith.muli %get3A_377, %mul3A_379 : vector<16xi32>
      %sub3A_381 = arith.constant 1503 : i32
      %sub3A_382 = vector.broadcast %sub3A_381 : i32 to vector<16xi32>
      %sub3A_383 = arith.subi %sub3A_382, %iota3A : vector<16xi32>
      %add3A_384 = arith.addi %mul3A_380, %sub3A_383 : vector<16xi32>
      %max3A_385 = arith.maxsi %max3A_374, %add3A_384 : vector<16xi32>
      %get3A_386 = arith.constant 560 : index
      %get3A_387 = tpu.vector_load %arg5[%get3A_386] {strides = array<i32>} : memref<2048xi32, #tpu.memory_space<vmem>>, vector<16xi32>,
      %get3A_388 = vector.shape_cast %get3A_387 : vector<16xi32> to vector<16xi32>
      %mul3A_389 = arith.constant 2048 : i32
      %mul3A_390 = vector.broadcast %mul3A_389 : i32 to vector<16xi32>
      %mul3A_391 = arith.muli %get3A_388, %mul3A_390 : vector<16xi32>
      %sub3A_392 = arith.constant 1487 : i32
      %sub3A_393 = vector.broadcast %sub3A_392 : i32 to vector<16xi32>
      %sub3A_394 = arith.subi %sub3A_393, %iota3A : vector<16xi32>
      %add3A_395 = arith.addi %mul3A_391, %sub3A_394 : vector<16xi32>
      %max3A_396 = arith.maxsi %max3A_385, %add3A_395 : vector<16xi32>
      %get3A_397 = arith.constant 576 : index
      %get3A_398 = tpu.vector_load %arg5[%get3A_397] {strides = array<i32>} : memref<2048xi32, #tpu.memory_space<vmem>>, vector<16xi32>,
      %get3A_399 = vector.shape_cast %get3A_398 : vector<16xi32> to vector<16xi32>
      %mul3A_400 = arith.constant 2048 : i32
      %mul3A_401 = vector.broadcast %mul3A_400 : i32 to vector<16xi32>
      %mul3A_402 = arith.muli %get3A_399, %mul3A_401 : vector<16xi32>
      %sub3A_403 = arith.constant 1471 : i32
      %sub3A_404 = vector.broadcast %sub3A_403 : i32 to vector<16xi32>
      %sub3A_405 = arith.subi %sub3A_404, %iota3A : vector<16xi32>
      %add3A_406 = arith.addi %mul3A_402, %sub3A_405 : vector<16xi32>
      %max3A_407 = arith.maxsi %max3A_396, %add3A_406 : vector<16xi32>
      %get3A_408 = arith.constant 592 : index
      %get3A_409 = tpu.vector_load %arg5[%get3A_408] {strides = array<i32>} : memref<2048xi32, #tpu.memory_space<vmem>>, vector<16xi32>,
      %get3A_410 = vector.shape_cast %get3A_409 : vector<16xi32> to vector<16xi32>
      %mul3A_411 = arith.constant 2048 : i32
      %mul3A_412 = vector.broadcast %mul3A_411 : i32 to vector<16xi32>
      %mul3A_413 = arith.muli %get3A_410, %mul3A_412 : vector<16xi32>
      %sub3A_414 = arith.constant 1455 : i32
      %sub3A_415 = vector.broadcast %sub3A_414 : i32 to vector<16xi32>
      %sub3A_416 = arith.subi %sub3A_415, %iota3A : vector<16xi32>
      %add3A_417 = arith.addi %mul3A_413, %sub3A_416 : vector<16xi32>
      %max3A_418 = arith.maxsi %max3A_407, %add3A_417 : vector<16xi32>
      %get3A_419 = arith.constant 608 : index
      %get3A_420 = tpu.vector_load %arg5[%get3A_419] {strides = array<i32>} : memref<2048xi32, #tpu.memory_space<vmem>>, vector<16xi32>,
      %get3A_421 = vector.shape_cast %get3A_420 : vector<16xi32> to vector<16xi32>
      %mul3A_422 = arith.constant 2048 : i32
      %mul3A_423 = vector.broadcast %mul3A_422 : i32 to vector<16xi32>
      %mul3A_424 = arith.muli %get3A_421, %mul3A_423 : vector<16xi32>
      %sub3A_425 = arith.constant 1439 : i32
      %sub3A_426 = vector.broadcast %sub3A_425 : i32 to vector<16xi32>
      %sub3A_427 = arith.subi %sub3A_426, %iota3A : vector<16xi32>
      %add3A_428 = arith.addi %mul3A_424, %sub3A_427 : vector<16xi32>
      %max3A_429 = arith.maxsi %max3A_418, %add3A_428 : vector<16xi32>
      %get3A_430 = arith.constant 624 : index
      %get3A_431 = tpu.vector_load %arg5[%get3A_430] {strides = array<i32>} : memref<2048xi32, #tpu.memory_space<vmem>>, vector<16xi32>,
      %get3A_432 = vector.shape_cast %get3A_431 : vector<16xi32> to vector<16xi32>
      %mul3A_433 = arith.constant 2048 : i32
      %mul3A_434 = vector.broadcast %mul3A_433 : i32 to vector<16xi32>
      %mul3A_435 = arith.muli %get3A_432, %mul3A_434 : vector<16xi32>
      %sub3A_436 = arith.constant 1423 : i32
      %sub3A_437 = vector.broadcast %sub3A_436 : i32 to vector<16xi32>
      %sub3A_438 = arith.subi %sub3A_437, %iota3A : vector<16xi32>
      %add3A_439 = arith.addi %mul3A_435, %sub3A_438 : vector<16xi32>
      %max3A_440 = arith.maxsi %max3A_429, %add3A_439 : vector<16xi32>
      %get3A_441 = arith.constant 640 : index
      %get3A_442 = tpu.vector_load %arg5[%get3A_441] {strides = array<i32>} : memref<2048xi32, #tpu.memory_space<vmem>>, vector<16xi32>,
      %get3A_443 = vector.shape_cast %get3A_442 : vector<16xi32> to vector<16xi32>
      %mul3A_444 = arith.constant 2048 : i32
      %mul3A_445 = vector.broadcast %mul3A_444 : i32 to vector<16xi32>
      %mul3A_446 = arith.muli %get3A_443, %mul3A_445 : vector<16xi32>
      %sub3A_447 = arith.constant 1407 : i32
      %sub3A_448 = vector.broadcast %sub3A_447 : i32 to vector<16xi32>
      %sub3A_449 = arith.subi %sub3A_448, %iota3A : vector<16xi32>
      %add3A_450 = arith.addi %mul3A_446, %sub3A_449 : vector<16xi32>
      %max3A_451 = arith.maxsi %max3A_440, %add3A_450 : vector<16xi32>
      %get3A_452 = arith.constant 656 : index
      %get3A_453 = tpu.vector_load %arg5[%get3A_452] {strides = array<i32>} : memref<2048xi32, #tpu.memory_space<vmem>>, vector<16xi32>,
      %get3A_454 = vector.shape_cast %get3A_453 : vector<16xi32> to vector<16xi32>
      %mul3A_455 = arith.constant 2048 : i32
      %mul3A_456 = vector.broadcast %mul3A_455 : i32 to vector<16xi32>
      %mul3A_457 = arith.muli %get3A_454, %mul3A_456 : vector<16xi32>
      %sub3A_458 = arith.constant 1391 : i32
      %sub3A_459 = vector.broadcast %sub3A_458 : i32 to vector<16xi32>
      %sub3A_460 = arith.subi %sub3A_459, %iota3A : vector<16xi32>
      %add3A_461 = arith.addi %mul3A_457, %sub3A_460 : vector<16xi32>
      %max3A_462 = arith.maxsi %max3A_451, %add3A_461 : vector<16xi32>
      %get3A_463 = arith.constant 672 : index
      %get3A_464 = tpu.vector_load %arg5[%get3A_463] {strides = array<i32>} : memref<2048xi32, #tpu.memory_space<vmem>>, vector<16xi32>,
      %get3A_465 = vector.shape_cast %get3A_464 : vector<16xi32> to vector<16xi32>
      %mul3A_466 = arith.constant 2048 : i32
      %mul3A_467 = vector.broadcast %mul3A_466 : i32 to vector<16xi32>
      %mul3A_468 = arith.muli %get3A_465, %mul3A_467 : vector<16xi32>
      %sub3A_469 = arith.constant 1375 : i32
      %sub3A_470 = vector.broadcast %sub3A_469 : i32 to vector<16xi32>
      %sub3A_471 = arith.subi %sub3A_470, %iota3A : vector<16xi32>
      %add3A_472 = arith.addi %mul3A_468, %sub3A_471 : vector<16xi32>
      %max3A_473 = arith.maxsi %max3A_462, %add3A_472 : vector<16xi32>
      %get3A_474 = arith.constant 688 : index
      %get3A_475 = tpu.vector_load %arg5[%get3A_474] {strides = array<i32>} : memref<2048xi32, #tpu.memory_space<vmem>>, vector<16xi32>,
      %get3A_476 = vector.shape_cast %get3A_475 : vector<16xi32> to vector<16xi32>
      %mul3A_477 = arith.constant 2048 : i32
      %mul3A_478 = vector.broadcast %mul3A_477 : i32 to vector<16xi32>
      %mul3A_479 = arith.muli %get3A_476, %mul3A_478 : vector<16xi32>
      %sub3A_480 = arith.constant 1359 : i32
      %sub3A_481 = vector.broadcast %sub3A_480 : i32 to vector<16xi32>
      %sub3A_482 = arith.subi %sub3A_481, %iota3A : vector<16xi32>
      %add3A_483 = arith.addi %mul3A_479, %sub3A_482 : vector<16xi32>
      %max3A_484 = arith.maxsi %max3A_473, %add3A_483 : vector<16xi32>
      %get3A_485 = arith.constant 704 : index
      %get3A_486 = tpu.vector_load %arg5[%get3A_485] {strides = array<i32>} : memref<2048xi32, #tpu.memory_space<vmem>>, vector<16xi32>,
      %get3A_487 = vector.shape_cast %get3A_486 : vector<16xi32> to vector<16xi32>
      %mul3A_488 = arith.constant 2048 : i32
      %mul3A_489 = vector.broadcast %mul3A_488 : i32 to vector<16xi32>
      %mul3A_490 = arith.muli %get3A_487, %mul3A_489 : vector<16xi32>
      %sub3A_491 = arith.constant 1343 : i32
      %sub3A_492 = vector.broadcast %sub3A_491 : i32 to vector<16xi32>
      %sub3A_493 = arith.subi %sub3A_492, %iota3A : vector<16xi32>
      %add3A_494 = arith.addi %mul3A_490, %sub3A_493 : vector<16xi32>
      %max3A_495 = arith.maxsi %max3A_484, %add3A_494 : vector<16xi32>
      %get3A_496 = arith.constant 720 : index
      %get3A_497 = tpu.vector_load %arg5[%get3A_496] {strides = array<i32>} : memref<2048xi32, #tpu.memory_space<vmem>>, vector<16xi32>,
      %get3A_498 = vector.shape_cast %get3A_497 : vector<16xi32> to vector<16xi32>
      %mul3A_499 = arith.constant 2048 : i32
      %mul3A_500 = vector.broadcast %mul3A_499 : i32 to vector<16xi32>
      %mul3A_501 = arith.muli %get3A_498, %mul3A_500 : vector<16xi32>
      %sub3A_502 = arith.constant 1327 : i32
      %sub3A_503 = vector.broadcast %sub3A_502 : i32 to vector<16xi32>
      %sub3A_504 = arith.subi %sub3A_503, %iota3A : vector<16xi32>
      %add3A_505 = arith.addi %mul3A_501, %sub3A_504 : vector<16xi32>
      %max3A_506 = arith.maxsi %max3A_495, %add3A_505 : vector<16xi32>
      %get3A_507 = arith.constant 736 : index
      %get3A_508 = tpu.vector_load %arg5[%get3A_507] {strides = array<i32>} : memref<2048xi32, #tpu.memory_space<vmem>>, vector<16xi32>,
      %get3A_509 = vector.shape_cast %get3A_508 : vector<16xi32> to vector<16xi32>
      %mul3A_510 = arith.constant 2048 : i32
      %mul3A_511 = vector.broadcast %mul3A_510 : i32 to vector<16xi32>
      %mul3A_512 = arith.muli %get3A_509, %mul3A_511 : vector<16xi32>
      %sub3A_513 = arith.constant 1311 : i32
      %sub3A_514 = vector.broadcast %sub3A_513 : i32 to vector<16xi32>
      %sub3A_515 = arith.subi %sub3A_514, %iota3A : vector<16xi32>
      %add3A_516 = arith.addi %mul3A_512, %sub3A_515 : vector<16xi32>
      %max3A_517 = arith.maxsi %max3A_506, %add3A_516 : vector<16xi32>
      %get3A_518 = arith.constant 752 : index
      %get3A_519 = tpu.vector_load %arg5[%get3A_518] {strides = array<i32>} : memref<2048xi32, #tpu.memory_space<vmem>>, vector<16xi32>,
      %get3A_520 = vector.shape_cast %get3A_519 : vector<16xi32> to vector<16xi32>
      %mul3A_521 = arith.constant 2048 : i32
      %mul3A_522 = vector.broadcast %mul3A_521 : i32 to vector<16xi32>
      %mul3A_523 = arith.muli %get3A_520, %mul3A_522 : vector<16xi32>
      %sub3A_524 = arith.constant 1295 : i32
      %sub3A_525 = vector.broadcast %sub3A_524 : i32 to vector<16xi32>
      %sub3A_526 = arith.subi %sub3A_525, %iota3A : vector<16xi32>
      %add3A_527 = arith.addi %mul3A_523, %sub3A_526 : vector<16xi32>
      %max3A_528 = arith.maxsi %max3A_517, %add3A_527 : vector<16xi32>
      %get3A_529 = arith.constant 768 : index
      %get3A_530 = tpu.vector_load %arg5[%get3A_529] {strides = array<i32>} : memref<2048xi32, #tpu.memory_space<vmem>>, vector<16xi32>,
      %get3A_531 = vector.shape_cast %get3A_530 : vector<16xi32> to vector<16xi32>
      %mul3A_532 = arith.constant 2048 : i32
      %mul3A_533 = vector.broadcast %mul3A_532 : i32 to vector<16xi32>
      %mul3A_534 = arith.muli %get3A_531, %mul3A_533 : vector<16xi32>
      %sub3A_535 = arith.constant 1279 : i32
      %sub3A_536 = vector.broadcast %sub3A_535 : i32 to vector<16xi32>
      %sub3A_537 = arith.subi %sub3A_536, %iota3A : vector<16xi32>
      %add3A_538 = arith.addi %mul3A_534, %sub3A_537 : vector<16xi32>
      %max3A_539 = arith.maxsi %max3A_528, %add3A_538 : vector<16xi32>
      %get3A_540 = arith.constant 784 : index
      %get3A_541 = tpu.vector_load %arg5[%get3A_540] {strides = array<i32>} : memref<2048xi32, #tpu.memory_space<vmem>>, vector<16xi32>,
      %get3A_542 = vector.shape_cast %get3A_541 : vector<16xi32> to vector<16xi32>
      %mul3A_543 = arith.constant 2048 : i32
      %mul3A_544 = vector.broadcast %mul3A_543 : i32 to vector<16xi32>
      %mul3A_545 = arith.muli %get3A_542, %mul3A_544 : vector<16xi32>
      %sub3A_546 = arith.constant 1263 : i32
      %sub3A_547 = vector.broadcast %sub3A_546 : i32 to vector<16xi32>
      %sub3A_548 = arith.subi %sub3A_547, %iota3A : vector<16xi32>
      %add3A_549 = arith.addi %mul3A_545, %sub3A_548 : vector<16xi32>
      %max3A_550 = arith.maxsi %max3A_539, %add3A_549 : vector<16xi32>
      %get3A_551 = arith.constant 800 : index
      %get3A_552 = tpu.vector_load %arg5[%get3A_551] {strides = array<i32>} : memref<2048xi32, #tpu.memory_space<vmem>>, vector<16xi32>,
      %get3A_553 = vector.shape_cast %get3A_552 : vector<16xi32> to vector<16xi32>
      %mul3A_554 = arith.constant 2048 : i32
      %mul3A_555 = vector.broadcast %mul3A_554 : i32 to vector<16xi32>
      %mul3A_556 = arith.muli %get3A_553, %mul3A_555 : vector<16xi32>
      %sub3A_557 = arith.constant 1247 : i32
      %sub3A_558 = vector.broadcast %sub3A_557 : i32 to vector<16xi32>
      %sub3A_559 = arith.subi %sub3A_558, %iota3A : vector<16xi32>
      %add3A_560 = arith.addi %mul3A_556, %sub3A_559 : vector<16xi32>
      %max3A_561 = arith.maxsi %max3A_550, %add3A_560 : vector<16xi32>
      %get3A_562 = arith.constant 816 : index
      %get3A_563 = tpu.vector_load %arg5[%get3A_562] {strides = array<i32>} : memref<2048xi32, #tpu.memory_space<vmem>>, vector<16xi32>,
      %get3A_564 = vector.shape_cast %get3A_563 : vector<16xi32> to vector<16xi32>
      %mul3A_565 = arith.constant 2048 : i32
      %mul3A_566 = vector.broadcast %mul3A_565 : i32 to vector<16xi32>
      %mul3A_567 = arith.muli %get3A_564, %mul3A_566 : vector<16xi32>
      %sub3A_568 = arith.constant 1231 : i32
      %sub3A_569 = vector.broadcast %sub3A_568 : i32 to vector<16xi32>
      %sub3A_570 = arith.subi %sub3A_569, %iota3A : vector<16xi32>
      %add3A_571 = arith.addi %mul3A_567, %sub3A_570 : vector<16xi32>
      %max3A_572 = arith.maxsi %max3A_561, %add3A_571 : vector<16xi32>
      %get3A_573 = arith.constant 832 : index
      %get3A_574 = tpu.vector_load %arg5[%get3A_573] {strides = array<i32>} : memref<2048xi32, #tpu.memory_space<vmem>>, vector<16xi32>,
      %get3A_575 = vector.shape_cast %get3A_574 : vector<16xi32> to vector<16xi32>
      %mul3A_576 = arith.constant 2048 : i32
      %mul3A_577 = vector.broadcast %mul3A_576 : i32 to vector<16xi32>
      %mul3A_578 = arith.muli %get3A_575, %mul3A_577 : vector<16xi32>
      %sub3A_579 = arith.constant 1215 : i32
      %sub3A_580 = vector.broadcast %sub3A_579 : i32 to vector<16xi32>
      %sub3A_581 = arith.subi %sub3A_580, %iota3A : vector<16xi32>
      %add3A_582 = arith.addi %mul3A_578, %sub3A_581 : vector<16xi32>
      %max3A_583 = arith.maxsi %max3A_572, %add3A_582 : vector<16xi32>
      %get3A_584 = arith.constant 848 : index
      %get3A_585 = tpu.vector_load %arg5[%get3A_584] {strides = array<i32>} : memref<2048xi32, #tpu.memory_space<vmem>>, vector<16xi32>,
      %get3A_586 = vector.shape_cast %get3A_585 : vector<16xi32> to vector<16xi32>
      %mul3A_587 = arith.constant 2048 : i32
      %mul3A_588 = vector.broadcast %mul3A_587 : i32 to vector<16xi32>
      %mul3A_589 = arith.muli %get3A_586, %mul3A_588 : vector<16xi32>
      %sub3A_590 = arith.constant 1199 : i32
      %sub3A_591 = vector.broadcast %sub3A_590 : i32 to vector<16xi32>
      %sub3A_592 = arith.subi %sub3A_591, %iota3A : vector<16xi32>
      %add3A_593 = arith.addi %mul3A_589, %sub3A_592 : vector<16xi32>
      %max3A_594 = arith.maxsi %max3A_583, %add3A_593 : vector<16xi32>
      %get3A_595 = arith.constant 864 : index
      %get3A_596 = tpu.vector_load %arg5[%get3A_595] {strides = array<i32>} : memref<2048xi32, #tpu.memory_space<vmem>>, vector<16xi32>,
      %get3A_597 = vector.shape_cast %get3A_596 : vector<16xi32> to vector<16xi32>
      %mul3A_598 = arith.constant 2048 : i32
      %mul3A_599 = vector.broadcast %mul3A_598 : i32 to vector<16xi32>
      %mul3A_600 = arith.muli %get3A_597, %mul3A_599 : vector<16xi32>
      %sub3A_601 = arith.constant 1183 : i32
      %sub3A_602 = vector.broadcast %sub3A_601 : i32 to vector<16xi32>
      %sub3A_603 = arith.subi %sub3A_602, %iota3A : vector<16xi32>
      %add3A_604 = arith.addi %mul3A_600, %sub3A_603 : vector<16xi32>
      %max3A_605 = arith.maxsi %max3A_594, %add3A_604 : vector<16xi32>
      %get3A_606 = arith.constant 880 : index
      %get3A_607 = tpu.vector_load %arg5[%get3A_606] {strides = array<i32>} : memref<2048xi32, #tpu.memory_space<vmem>>, vector<16xi32>,
      %get3A_608 = vector.shape_cast %get3A_607 : vector<16xi32> to vector<16xi32>
      %mul3A_609 = arith.constant 2048 : i32
      %mul3A_610 = vector.broadcast %mul3A_609 : i32 to vector<16xi32>
      %mul3A_611 = arith.muli %get3A_608, %mul3A_610 : vector<16xi32>
      %sub3A_612 = arith.constant 1167 : i32
      %sub3A_613 = vector.broadcast %sub3A_612 : i32 to vector<16xi32>
      %sub3A_614 = arith.subi %sub3A_613, %iota3A : vector<16xi32>
      %add3A_615 = arith.addi %mul3A_611, %sub3A_614 : vector<16xi32>
      %max3A_616 = arith.maxsi %max3A_605, %add3A_615 : vector<16xi32>
      %get3A_617 = arith.constant 896 : index
      %get3A_618 = tpu.vector_load %arg5[%get3A_617] {strides = array<i32>} : memref<2048xi32, #tpu.memory_space<vmem>>, vector<16xi32>,
      %get3A_619 = vector.shape_cast %get3A_618 : vector<16xi32> to vector<16xi32>
      %mul3A_620 = arith.constant 2048 : i32
      %mul3A_621 = vector.broadcast %mul3A_620 : i32 to vector<16xi32>
      %mul3A_622 = arith.muli %get3A_619, %mul3A_621 : vector<16xi32>
      %sub3A_623 = arith.constant 1151 : i32
      %sub3A_624 = vector.broadcast %sub3A_623 : i32 to vector<16xi32>
      %sub3A_625 = arith.subi %sub3A_624, %iota3A : vector<16xi32>
      %add3A_626 = arith.addi %mul3A_622, %sub3A_625 : vector<16xi32>
      %max3A_627 = arith.maxsi %max3A_616, %add3A_626 : vector<16xi32>
      %get3A_628 = arith.constant 912 : index
      %get3A_629 = tpu.vector_load %arg5[%get3A_628] {strides = array<i32>} : memref<2048xi32, #tpu.memory_space<vmem>>, vector<16xi32>,
      %get3A_630 = vector.shape_cast %get3A_629 : vector<16xi32> to vector<16xi32>
      %mul3A_631 = arith.constant 2048 : i32
      %mul3A_632 = vector.broadcast %mul3A_631 : i32 to vector<16xi32>
      %mul3A_633 = arith.muli %get3A_630, %mul3A_632 : vector<16xi32>
      %sub3A_634 = arith.constant 1135 : i32
      %sub3A_635 = vector.broadcast %sub3A_634 : i32 to vector<16xi32>
      %sub3A_636 = arith.subi %sub3A_635, %iota3A : vector<16xi32>
      %add3A_637 = arith.addi %mul3A_633, %sub3A_636 : vector<16xi32>
      %max3A_638 = arith.maxsi %max3A_627, %add3A_637 : vector<16xi32>
      %get3A_639 = arith.constant 928 : index
      %get3A_640 = tpu.vector_load %arg5[%get3A_639] {strides = array<i32>} : memref<2048xi32, #tpu.memory_space<vmem>>, vector<16xi32>,
      %get3A_641 = vector.shape_cast %get3A_640 : vector<16xi32> to vector<16xi32>
      %mul3A_642 = arith.constant 2048 : i32
      %mul3A_643 = vector.broadcast %mul3A_642 : i32 to vector<16xi32>
      %mul3A_644 = arith.muli %get3A_641, %mul3A_643 : vector<16xi32>
      %sub3A_645 = arith.constant 1119 : i32
      %sub3A_646 = vector.broadcast %sub3A_645 : i32 to vector<16xi32>
      %sub3A_647 = arith.subi %sub3A_646, %iota3A : vector<16xi32>
      %add3A_648 = arith.addi %mul3A_644, %sub3A_647 : vector<16xi32>
      %max3A_649 = arith.maxsi %max3A_638, %add3A_648 : vector<16xi32>
      %get3A_650 = arith.constant 944 : index
      %get3A_651 = tpu.vector_load %arg5[%get3A_650] {strides = array<i32>} : memref<2048xi32, #tpu.memory_space<vmem>>, vector<16xi32>,
      %get3A_652 = vector.shape_cast %get3A_651 : vector<16xi32> to vector<16xi32>
      %mul3A_653 = arith.constant 2048 : i32
      %mul3A_654 = vector.broadcast %mul3A_653 : i32 to vector<16xi32>
      %mul3A_655 = arith.muli %get3A_652, %mul3A_654 : vector<16xi32>
      %sub3A_656 = arith.constant 1103 : i32
      %sub3A_657 = vector.broadcast %sub3A_656 : i32 to vector<16xi32>
      %sub3A_658 = arith.subi %sub3A_657, %iota3A : vector<16xi32>
      %add3A_659 = arith.addi %mul3A_655, %sub3A_658 : vector<16xi32>
      %max3A_660 = arith.maxsi %max3A_649, %add3A_659 : vector<16xi32>
      %get3A_661 = arith.constant 960 : index
      %get3A_662 = tpu.vector_load %arg5[%get3A_661] {strides = array<i32>} : memref<2048xi32, #tpu.memory_space<vmem>>, vector<16xi32>,
      %get3A_663 = vector.shape_cast %get3A_662 : vector<16xi32> to vector<16xi32>
      %mul3A_664 = arith.constant 2048 : i32
      %mul3A_665 = vector.broadcast %mul3A_664 : i32 to vector<16xi32>
      %mul3A_666 = arith.muli %get3A_663, %mul3A_665 : vector<16xi32>
      %sub3A_667 = arith.constant 1087 : i32
      %sub3A_668 = vector.broadcast %sub3A_667 : i32 to vector<16xi32>
      %sub3A_669 = arith.subi %sub3A_668, %iota3A : vector<16xi32>
      %add3A_670 = arith.addi %mul3A_666, %sub3A_669 : vector<16xi32>
      %max3A_671 = arith.maxsi %max3A_660, %add3A_670 : vector<16xi32>
      %get3A_672 = arith.constant 976 : index
      %get3A_673 = tpu.vector_load %arg5[%get3A_672] {strides = array<i32>} : memref<2048xi32, #tpu.memory_space<vmem>>, vector<16xi32>,
      %get3A_674 = vector.shape_cast %get3A_673 : vector<16xi32> to vector<16xi32>
      %mul3A_675 = arith.constant 2048 : i32
      %mul3A_676 = vector.broadcast %mul3A_675 : i32 to vector<16xi32>
      %mul3A_677 = arith.muli %get3A_674, %mul3A_676 : vector<16xi32>
      %sub3A_678 = arith.constant 1071 : i32
      %sub3A_679 = vector.broadcast %sub3A_678 : i32 to vector<16xi32>
      %sub3A_680 = arith.subi %sub3A_679, %iota3A : vector<16xi32>
      %add3A_681 = arith.addi %mul3A_677, %sub3A_680 : vector<16xi32>
      %max3A_682 = arith.maxsi %max3A_671, %add3A_681 : vector<16xi32>
      %get3A_683 = arith.constant 992 : index
      %get3A_684 = tpu.vector_load %arg5[%get3A_683] {strides = array<i32>} : memref<2048xi32, #tpu.memory_space<vmem>>, vector<16xi32>,
      %get3A_685 = vector.shape_cast %get3A_684 : vector<16xi32> to vector<16xi32>
      %mul3A_686 = arith.constant 2048 : i32
      %mul3A_687 = vector.broadcast %mul3A_686 : i32 to vector<16xi32>
      %mul3A_688 = arith.muli %get3A_685, %mul3A_687 : vector<16xi32>
      %sub3A_689 = arith.constant 1055 : i32
      %sub3A_690 = vector.broadcast %sub3A_689 : i32 to vector<16xi32>
      %sub3A_691 = arith.subi %sub3A_690, %iota3A : vector<16xi32>
      %add3A_692 = arith.addi %mul3A_688, %sub3A_691 : vector<16xi32>
      %max3A_693 = arith.maxsi %max3A_682, %add3A_692 : vector<16xi32>
      %get3A_694 = arith.constant 1008 : index
      %get3A_695 = tpu.vector_load %arg5[%get3A_694] {strides = array<i32>} : memref<2048xi32, #tpu.memory_space<vmem>>, vector<16xi32>,
      %get3A_696 = vector.shape_cast %get3A_695 : vector<16xi32> to vector<16xi32>
      %mul3A_697 = arith.constant 2048 : i32
      %mul3A_698 = vector.broadcast %mul3A_697 : i32 to vector<16xi32>
      %mul3A_699 = arith.muli %get3A_696, %mul3A_698 : vector<16xi32>
      %sub3A_700 = arith.constant 1039 : i32
      %sub3A_701 = vector.broadcast %sub3A_700 : i32 to vector<16xi32>
      %sub3A_702 = arith.subi %sub3A_701, %iota3A : vector<16xi32>
      %add3A_703 = arith.addi %mul3A_699, %sub3A_702 : vector<16xi32>
      %max3A_704 = arith.maxsi %max3A_693, %add3A_703 : vector<16xi32>
      %get3A_705 = arith.constant 1024 : index
      %get3A_706 = tpu.vector_load %arg5[%get3A_705] {strides = array<i32>} : memref<2048xi32, #tpu.memory_space<vmem>>, vector<16xi32>,
      %get3A_707 = vector.shape_cast %get3A_706 : vector<16xi32> to vector<16xi32>
      %mul3A_708 = arith.constant 2048 : i32
      %mul3A_709 = vector.broadcast %mul3A_708 : i32 to vector<16xi32>
      %mul3A_710 = arith.muli %get3A_707, %mul3A_709 : vector<16xi32>
      %sub3A_711 = arith.constant 1023 : i32
      %sub3A_712 = vector.broadcast %sub3A_711 : i32 to vector<16xi32>
      %sub3A_713 = arith.subi %sub3A_712, %iota3A : vector<16xi32>
      %add3A_714 = arith.addi %mul3A_710, %sub3A_713 : vector<16xi32>
      %max3A_715 = arith.maxsi %max3A_704, %add3A_714 : vector<16xi32>
      %get3A_716 = arith.constant 1040 : index
      %get3A_717 = tpu.vector_load %arg5[%get3A_716] {strides = array<i32>} : memref<2048xi32, #tpu.memory_space<vmem>>, vector<16xi32>,
      %get3A_718 = vector.shape_cast %get3A_717 : vector<16xi32> to vector<16xi32>
      %mul3A_719 = arith.constant 2048 : i32
      %mul3A_720 = vector.broadcast %mul3A_719 : i32 to vector<16xi32>
      %mul3A_721 = arith.muli %get3A_718, %mul3A_720 : vector<16xi32>
      %sub3A_722 = arith.constant 1007 : i32
      %sub3A_723 = vector.broadcast %sub3A_722 : i32 to vector<16xi32>
      %sub3A_724 = arith.subi %sub3A_723, %iota3A : vector<16xi32>
      %add3A_725 = arith.addi %mul3A_721, %sub3A_724 : vector<16xi32>
      %max3A_726 = arith.maxsi %max3A_715, %add3A_725 : vector<16xi32>
      %get3A_727 = arith.constant 1056 : index
      %get3A_728 = tpu.vector_load %arg5[%get3A_727] {strides = array<i32>} : memref<2048xi32, #tpu.memory_space<vmem>>, vector<16xi32>,
      %get3A_729 = vector.shape_cast %get3A_728 : vector<16xi32> to vector<16xi32>
      %mul3A_730 = arith.constant 2048 : i32
      %mul3A_731 = vector.broadcast %mul3A_730 : i32 to vector<16xi32>
      %mul3A_732 = arith.muli %get3A_729, %mul3A_731 : vector<16xi32>
      %sub3A_733 = arith.constant 991 : i32
      %sub3A_734 = vector.broadcast %sub3A_733 : i32 to vector<16xi32>
      %sub3A_735 = arith.subi %sub3A_734, %iota3A : vector<16xi32>
      %add3A_736 = arith.addi %mul3A_732, %sub3A_735 : vector<16xi32>
      %max3A_737 = arith.maxsi %max3A_726, %add3A_736 : vector<16xi32>
      %get3A_738 = arith.constant 1072 : index
      %get3A_739 = tpu.vector_load %arg5[%get3A_738] {strides = array<i32>} : memref<2048xi32, #tpu.memory_space<vmem>>, vector<16xi32>,
      %get3A_740 = vector.shape_cast %get3A_739 : vector<16xi32> to vector<16xi32>
      %mul3A_741 = arith.constant 2048 : i32
      %mul3A_742 = vector.broadcast %mul3A_741 : i32 to vector<16xi32>
      %mul3A_743 = arith.muli %get3A_740, %mul3A_742 : vector<16xi32>
      %sub3A_744 = arith.constant 975 : i32
      %sub3A_745 = vector.broadcast %sub3A_744 : i32 to vector<16xi32>
      %sub3A_746 = arith.subi %sub3A_745, %iota3A : vector<16xi32>
      %add3A_747 = arith.addi %mul3A_743, %sub3A_746 : vector<16xi32>
      %max3A_748 = arith.maxsi %max3A_737, %add3A_747 : vector<16xi32>
      %get3A_749 = arith.constant 1088 : index
      %get3A_750 = tpu.vector_load %arg5[%get3A_749] {strides = array<i32>} : memref<2048xi32, #tpu.memory_space<vmem>>, vector<16xi32>,
      %get3A_751 = vector.shape_cast %get3A_750 : vector<16xi32> to vector<16xi32>
      %mul3A_752 = arith.constant 2048 : i32
      %mul3A_753 = vector.broadcast %mul3A_752 : i32 to vector<16xi32>
      %mul3A_754 = arith.muli %get3A_751, %mul3A_753 : vector<16xi32>
      %sub3A_755 = arith.constant 959 : i32
      %sub3A_756 = vector.broadcast %sub3A_755 : i32 to vector<16xi32>
      %sub3A_757 = arith.subi %sub3A_756, %iota3A : vector<16xi32>
      %add3A_758 = arith.addi %mul3A_754, %sub3A_757 : vector<16xi32>
      %max3A_759 = arith.maxsi %max3A_748, %add3A_758 : vector<16xi32>
      %get3A_760 = arith.constant 1104 : index
      %get3A_761 = tpu.vector_load %arg5[%get3A_760] {strides = array<i32>} : memref<2048xi32, #tpu.memory_space<vmem>>, vector<16xi32>,
      %get3A_762 = vector.shape_cast %get3A_761 : vector<16xi32> to vector<16xi32>
      %mul3A_763 = arith.constant 2048 : i32
      %mul3A_764 = vector.broadcast %mul3A_763 : i32 to vector<16xi32>
      %mul3A_765 = arith.muli %get3A_762, %mul3A_764 : vector<16xi32>
      %sub3A_766 = arith.constant 943 : i32
      %sub3A_767 = vector.broadcast %sub3A_766 : i32 to vector<16xi32>
      %sub3A_768 = arith.subi %sub3A_767, %iota3A : vector<16xi32>
      %add3A_769 = arith.addi %mul3A_765, %sub3A_768 : vector<16xi32>
      %max3A_770 = arith.maxsi %max3A_759, %add3A_769 : vector<16xi32>
      %get3A_771 = arith.constant 1120 : index
      %get3A_772 = tpu.vector_load %arg5[%get3A_771] {strides = array<i32>} : memref<2048xi32, #tpu.memory_space<vmem>>, vector<16xi32>,
      %get3A_773 = vector.shape_cast %get3A_772 : vector<16xi32> to vector<16xi32>
      %mul3A_774 = arith.constant 2048 : i32
      %mul3A_775 = vector.broadcast %mul3A_774 : i32 to vector<16xi32>
      %mul3A_776 = arith.muli %get3A_773, %mul3A_775 : vector<16xi32>
      %sub3A_777 = arith.constant 927 : i32
      %sub3A_778 = vector.broadcast %sub3A_777 : i32 to vector<16xi32>
      %sub3A_779 = arith.subi %sub3A_778, %iota3A : vector<16xi32>
      %add3A_780 = arith.addi %mul3A_776, %sub3A_779 : vector<16xi32>
      %max3A_781 = arith.maxsi %max3A_770, %add3A_780 : vector<16xi32>
      %get3A_782 = arith.constant 1136 : index
      %get3A_783 = tpu.vector_load %arg5[%get3A_782] {strides = array<i32>} : memref<2048xi32, #tpu.memory_space<vmem>>, vector<16xi32>,
      %get3A_784 = vector.shape_cast %get3A_783 : vector<16xi32> to vector<16xi32>
      %mul3A_785 = arith.constant 2048 : i32
      %mul3A_786 = vector.broadcast %mul3A_785 : i32 to vector<16xi32>
      %mul3A_787 = arith.muli %get3A_784, %mul3A_786 : vector<16xi32>
      %sub3A_788 = arith.constant 911 : i32
      %sub3A_789 = vector.broadcast %sub3A_788 : i32 to vector<16xi32>
      %sub3A_790 = arith.subi %sub3A_789, %iota3A : vector<16xi32>
      %add3A_791 = arith.addi %mul3A_787, %sub3A_790 : vector<16xi32>
      %max3A_792 = arith.maxsi %max3A_781, %add3A_791 : vector<16xi32>
      %get3A_793 = arith.constant 1152 : index
      %get3A_794 = tpu.vector_load %arg5[%get3A_793] {strides = array<i32>} : memref<2048xi32, #tpu.memory_space<vmem>>, vector<16xi32>,
      %get3A_795 = vector.shape_cast %get3A_794 : vector<16xi32> to vector<16xi32>
      %mul3A_796 = arith.constant 2048 : i32
      %mul3A_797 = vector.broadcast %mul3A_796 : i32 to vector<16xi32>
      %mul3A_798 = arith.muli %get3A_795, %mul3A_797 : vector<16xi32>
      %sub3A_799 = arith.constant 895 : i32
      %sub3A_800 = vector.broadcast %sub3A_799 : i32 to vector<16xi32>
      %sub3A_801 = arith.subi %sub3A_800, %iota3A : vector<16xi32>
      %add3A_802 = arith.addi %mul3A_798, %sub3A_801 : vector<16xi32>
      %max3A_803 = arith.maxsi %max3A_792, %add3A_802 : vector<16xi32>
      %get3A_804 = arith.constant 1168 : index
      %get3A_805 = tpu.vector_load %arg5[%get3A_804] {strides = array<i32>} : memref<2048xi32, #tpu.memory_space<vmem>>, vector<16xi32>,
      %get3A_806 = vector.shape_cast %get3A_805 : vector<16xi32> to vector<16xi32>
      %mul3A_807 = arith.constant 2048 : i32
      %mul3A_808 = vector.broadcast %mul3A_807 : i32 to vector<16xi32>
      %mul3A_809 = arith.muli %get3A_806, %mul3A_808 : vector<16xi32>
      %sub3A_810 = arith.constant 879 : i32
      %sub3A_811 = vector.broadcast %sub3A_810 : i32 to vector<16xi32>
      %sub3A_812 = arith.subi %sub3A_811, %iota3A : vector<16xi32>
      %add3A_813 = arith.addi %mul3A_809, %sub3A_812 : vector<16xi32>
      %max3A_814 = arith.maxsi %max3A_803, %add3A_813 : vector<16xi32>
      %get3A_815 = arith.constant 1184 : index
      %get3A_816 = tpu.vector_load %arg5[%get3A_815] {strides = array<i32>} : memref<2048xi32, #tpu.memory_space<vmem>>, vector<16xi32>,
      %get3A_817 = vector.shape_cast %get3A_816 : vector<16xi32> to vector<16xi32>
      %mul3A_818 = arith.constant 2048 : i32
      %mul3A_819 = vector.broadcast %mul3A_818 : i32 to vector<16xi32>
      %mul3A_820 = arith.muli %get3A_817, %mul3A_819 : vector<16xi32>
      %sub3A_821 = arith.constant 863 : i32
      %sub3A_822 = vector.broadcast %sub3A_821 : i32 to vector<16xi32>
      %sub3A_823 = arith.subi %sub3A_822, %iota3A : vector<16xi32>
      %add3A_824 = arith.addi %mul3A_820, %sub3A_823 : vector<16xi32>
      %max3A_825 = arith.maxsi %max3A_814, %add3A_824 : vector<16xi32>
      %get3A_826 = arith.constant 1200 : index
      %get3A_827 = tpu.vector_load %arg5[%get3A_826] {strides = array<i32>} : memref<2048xi32, #tpu.memory_space<vmem>>, vector<16xi32>,
      %get3A_828 = vector.shape_cast %get3A_827 : vector<16xi32> to vector<16xi32>
      %mul3A_829 = arith.constant 2048 : i32
      %mul3A_830 = vector.broadcast %mul3A_829 : i32 to vector<16xi32>
      %mul3A_831 = arith.muli %get3A_828, %mul3A_830 : vector<16xi32>
      %sub3A_832 = arith.constant 847 : i32
      %sub3A_833 = vector.broadcast %sub3A_832 : i32 to vector<16xi32>
      %sub3A_834 = arith.subi %sub3A_833, %iota3A : vector<16xi32>
      %add3A_835 = arith.addi %mul3A_831, %sub3A_834 : vector<16xi32>
      %max3A_836 = arith.maxsi %max3A_825, %add3A_835 : vector<16xi32>
      %get3A_837 = arith.constant 1216 : index
      %get3A_838 = tpu.vector_load %arg5[%get3A_837] {strides = array<i32>} : memref<2048xi32, #tpu.memory_space<vmem>>, vector<16xi32>,
      %get3A_839 = vector.shape_cast %get3A_838 : vector<16xi32> to vector<16xi32>
      %mul3A_840 = arith.constant 2048 : i32
      %mul3A_841 = vector.broadcast %mul3A_840 : i32 to vector<16xi32>
      %mul3A_842 = arith.muli %get3A_839, %mul3A_841 : vector<16xi32>
      %sub3A_843 = arith.constant 831 : i32
      %sub3A_844 = vector.broadcast %sub3A_843 : i32 to vector<16xi32>
      %sub3A_845 = arith.subi %sub3A_844, %iota3A : vector<16xi32>
      %add3A_846 = arith.addi %mul3A_842, %sub3A_845 : vector<16xi32>
      %max3A_847 = arith.maxsi %max3A_836, %add3A_846 : vector<16xi32>
      %get3A_848 = arith.constant 1232 : index
      %get3A_849 = tpu.vector_load %arg5[%get3A_848] {strides = array<i32>} : memref<2048xi32, #tpu.memory_space<vmem>>, vector<16xi32>,
      %get3A_850 = vector.shape_cast %get3A_849 : vector<16xi32> to vector<16xi32>
      %mul3A_851 = arith.constant 2048 : i32
      %mul3A_852 = vector.broadcast %mul3A_851 : i32 to vector<16xi32>
      %mul3A_853 = arith.muli %get3A_850, %mul3A_852 : vector<16xi32>
      %sub3A_854 = arith.constant 815 : i32
      %sub3A_855 = vector.broadcast %sub3A_854 : i32 to vector<16xi32>
      %sub3A_856 = arith.subi %sub3A_855, %iota3A : vector<16xi32>
      %add3A_857 = arith.addi %mul3A_853, %sub3A_856 : vector<16xi32>
      %max3A_858 = arith.maxsi %max3A_847, %add3A_857 : vector<16xi32>
      %get3A_859 = arith.constant 1248 : index
      %get3A_860 = tpu.vector_load %arg5[%get3A_859] {strides = array<i32>} : memref<2048xi32, #tpu.memory_space<vmem>>, vector<16xi32>,
      %get3A_861 = vector.shape_cast %get3A_860 : vector<16xi32> to vector<16xi32>
      %mul3A_862 = arith.constant 2048 : i32
      %mul3A_863 = vector.broadcast %mul3A_862 : i32 to vector<16xi32>
      %mul3A_864 = arith.muli %get3A_861, %mul3A_863 : vector<16xi32>
      %sub3A_865 = arith.constant 799 : i32
      %sub3A_866 = vector.broadcast %sub3A_865 : i32 to vector<16xi32>
      %sub3A_867 = arith.subi %sub3A_866, %iota3A : vector<16xi32>
      %add3A_868 = arith.addi %mul3A_864, %sub3A_867 : vector<16xi32>
      %max3A_869 = arith.maxsi %max3A_858, %add3A_868 : vector<16xi32>
      %get3A_870 = arith.constant 1264 : index
      %get3A_871 = tpu.vector_load %arg5[%get3A_870] {strides = array<i32>} : memref<2048xi32, #tpu.memory_space<vmem>>, vector<16xi32>,
      %get3A_872 = vector.shape_cast %get3A_871 : vector<16xi32> to vector<16xi32>
      %mul3A_873 = arith.constant 2048 : i32
      %mul3A_874 = vector.broadcast %mul3A_873 : i32 to vector<16xi32>
      %mul3A_875 = arith.muli %get3A_872, %mul3A_874 : vector<16xi32>
      %sub3A_876 = arith.constant 783 : i32
      %sub3A_877 = vector.broadcast %sub3A_876 : i32 to vector<16xi32>
      %sub3A_878 = arith.subi %sub3A_877, %iota3A : vector<16xi32>
      %add3A_879 = arith.addi %mul3A_875, %sub3A_878 : vector<16xi32>
      %max3A_880 = arith.maxsi %max3A_869, %add3A_879 : vector<16xi32>
      %get3A_881 = arith.constant 1280 : index
      %get3A_882 = tpu.vector_load %arg5[%get3A_881] {strides = array<i32>} : memref<2048xi32, #tpu.memory_space<vmem>>, vector<16xi32>,
      %get3A_883 = vector.shape_cast %get3A_882 : vector<16xi32> to vector<16xi32>
      %mul3A_884 = arith.constant 2048 : i32
      %mul3A_885 = vector.broadcast %mul3A_884 : i32 to vector<16xi32>
      %mul3A_886 = arith.muli %get3A_883, %mul3A_885 : vector<16xi32>
      %sub3A_887 = arith.constant 767 : i32
      %sub3A_888 = vector.broadcast %sub3A_887 : i32 to vector<16xi32>
      %sub3A_889 = arith.subi %sub3A_888, %iota3A : vector<16xi32>
      %add3A_890 = arith.addi %mul3A_886, %sub3A_889 : vector<16xi32>
      %max3A_891 = arith.maxsi %max3A_880, %add3A_890 : vector<16xi32>
      %get3A_892 = arith.constant 1296 : index
      %get3A_893 = tpu.vector_load %arg5[%get3A_892] {strides = array<i32>} : memref<2048xi32, #tpu.memory_space<vmem>>, vector<16xi32>,
      %get3A_894 = vector.shape_cast %get3A_893 : vector<16xi32> to vector<16xi32>
      %mul3A_895 = arith.constant 2048 : i32
      %mul3A_896 = vector.broadcast %mul3A_895 : i32 to vector<16xi32>
      %mul3A_897 = arith.muli %get3A_894, %mul3A_896 : vector<16xi32>
      %sub3A_898 = arith.constant 751 : i32
      %sub3A_899 = vector.broadcast %sub3A_898 : i32 to vector<16xi32>
      %sub3A_900 = arith.subi %sub3A_899, %iota3A : vector<16xi32>
      %add3A_901 = arith.addi %mul3A_897, %sub3A_900 : vector<16xi32>
      %max3A_902 = arith.maxsi %max3A_891, %add3A_901 : vector<16xi32>
      %get3A_903 = arith.constant 1312 : index
      %get3A_904 = tpu.vector_load %arg5[%get3A_903] {strides = array<i32>} : memref<2048xi32, #tpu.memory_space<vmem>>, vector<16xi32>,
      %get3A_905 = vector.shape_cast %get3A_904 : vector<16xi32> to vector<16xi32>
      %mul3A_906 = arith.constant 2048 : i32
      %mul3A_907 = vector.broadcast %mul3A_906 : i32 to vector<16xi32>
      %mul3A_908 = arith.muli %get3A_905, %mul3A_907 : vector<16xi32>
      %sub3A_909 = arith.constant 735 : i32
      %sub3A_910 = vector.broadcast %sub3A_909 : i32 to vector<16xi32>
      %sub3A_911 = arith.subi %sub3A_910, %iota3A : vector<16xi32>
      %add3A_912 = arith.addi %mul3A_908, %sub3A_911 : vector<16xi32>
      %max3A_913 = arith.maxsi %max3A_902, %add3A_912 : vector<16xi32>
      %get3A_914 = arith.constant 1328 : index
      %get3A_915 = tpu.vector_load %arg5[%get3A_914] {strides = array<i32>} : memref<2048xi32, #tpu.memory_space<vmem>>, vector<16xi32>,
      %get3A_916 = vector.shape_cast %get3A_915 : vector<16xi32> to vector<16xi32>
      %mul3A_917 = arith.constant 2048 : i32
      %mul3A_918 = vector.broadcast %mul3A_917 : i32 to vector<16xi32>
      %mul3A_919 = arith.muli %get3A_916, %mul3A_918 : vector<16xi32>
      %sub3A_920 = arith.constant 719 : i32
      %sub3A_921 = vector.broadcast %sub3A_920 : i32 to vector<16xi32>
      %sub3A_922 = arith.subi %sub3A_921, %iota3A : vector<16xi32>
      %add3A_923 = arith.addi %mul3A_919, %sub3A_922 : vector<16xi32>
      %max3A_924 = arith.maxsi %max3A_913, %add3A_923 : vector<16xi32>
      %get3A_925 = arith.constant 1344 : index
      %get3A_926 = tpu.vector_load %arg5[%get3A_925] {strides = array<i32>} : memref<2048xi32, #tpu.memory_space<vmem>>, vector<16xi32>,
      %get3A_927 = vector.shape_cast %get3A_926 : vector<16xi32> to vector<16xi32>
      %mul3A_928 = arith.constant 2048 : i32
      %mul3A_929 = vector.broadcast %mul3A_928 : i32 to vector<16xi32>
      %mul3A_930 = arith.muli %get3A_927, %mul3A_929 : vector<16xi32>
      %sub3A_931 = arith.constant 703 : i32
      %sub3A_932 = vector.broadcast %sub3A_931 : i32 to vector<16xi32>
      %sub3A_933 = arith.subi %sub3A_932, %iota3A : vector<16xi32>
      %add3A_934 = arith.addi %mul3A_930, %sub3A_933 : vector<16xi32>
      %max3A_935 = arith.maxsi %max3A_924, %add3A_934 : vector<16xi32>
      %get3A_936 = arith.constant 1360 : index
      %get3A_937 = tpu.vector_load %arg5[%get3A_936] {strides = array<i32>} : memref<2048xi32, #tpu.memory_space<vmem>>, vector<16xi32>,
      %get3A_938 = vector.shape_cast %get3A_937 : vector<16xi32> to vector<16xi32>
      %mul3A_939 = arith.constant 2048 : i32
      %mul3A_940 = vector.broadcast %mul3A_939 : i32 to vector<16xi32>
      %mul3A_941 = arith.muli %get3A_938, %mul3A_940 : vector<16xi32>
      %sub3A_942 = arith.constant 687 : i32
      %sub3A_943 = vector.broadcast %sub3A_942 : i32 to vector<16xi32>
      %sub3A_944 = arith.subi %sub3A_943, %iota3A : vector<16xi32>
      %add3A_945 = arith.addi %mul3A_941, %sub3A_944 : vector<16xi32>
      %max3A_946 = arith.maxsi %max3A_935, %add3A_945 : vector<16xi32>
      %get3A_947 = arith.constant 1376 : index
      %get3A_948 = tpu.vector_load %arg5[%get3A_947] {strides = array<i32>} : memref<2048xi32, #tpu.memory_space<vmem>>, vector<16xi32>,
      %get3A_949 = vector.shape_cast %get3A_948 : vector<16xi32> to vector<16xi32>
      %mul3A_950 = arith.constant 2048 : i32
      %mul3A_951 = vector.broadcast %mul3A_950 : i32 to vector<16xi32>
      %mul3A_952 = arith.muli %get3A_949, %mul3A_951 : vector<16xi32>
      %sub3A_953 = arith.constant 671 : i32
      %sub3A_954 = vector.broadcast %sub3A_953 : i32 to vector<16xi32>
      %sub3A_955 = arith.subi %sub3A_954, %iota3A : vector<16xi32>
      %add3A_956 = arith.addi %mul3A_952, %sub3A_955 : vector<16xi32>
      %max3A_957 = arith.maxsi %max3A_946, %add3A_956 : vector<16xi32>
      %get3A_958 = arith.constant 1392 : index
      %get3A_959 = tpu.vector_load %arg5[%get3A_958] {strides = array<i32>} : memref<2048xi32, #tpu.memory_space<vmem>>, vector<16xi32>,
      %get3A_960 = vector.shape_cast %get3A_959 : vector<16xi32> to vector<16xi32>
      %mul3A_961 = arith.constant 2048 : i32
      %mul3A_962 = vector.broadcast %mul3A_961 : i32 to vector<16xi32>
      %mul3A_963 = arith.muli %get3A_960, %mul3A_962 : vector<16xi32>
      %sub3A_964 = arith.constant 655 : i32
      %sub3A_965 = vector.broadcast %sub3A_964 : i32 to vector<16xi32>
      %sub3A_966 = arith.subi %sub3A_965, %iota3A : vector<16xi32>
      %add3A_967 = arith.addi %mul3A_963, %sub3A_966 : vector<16xi32>
      %max3A_968 = arith.maxsi %max3A_957, %add3A_967 : vector<16xi32>
      %get3A_969 = arith.constant 1408 : index
      %get3A_970 = tpu.vector_load %arg5[%get3A_969] {strides = array<i32>} : memref<2048xi32, #tpu.memory_space<vmem>>, vector<16xi32>,
      %get3A_971 = vector.shape_cast %get3A_970 : vector<16xi32> to vector<16xi32>
      %mul3A_972 = arith.constant 2048 : i32
      %mul3A_973 = vector.broadcast %mul3A_972 : i32 to vector<16xi32>
      %mul3A_974 = arith.muli %get3A_971, %mul3A_973 : vector<16xi32>
      %sub3A_975 = arith.constant 639 : i32
      %sub3A_976 = vector.broadcast %sub3A_975 : i32 to vector<16xi32>
      %sub3A_977 = arith.subi %sub3A_976, %iota3A : vector<16xi32>
      %add3A_978 = arith.addi %mul3A_974, %sub3A_977 : vector<16xi32>
      %max3A_979 = arith.maxsi %max3A_968, %add3A_978 : vector<16xi32>
      %get3A_980 = arith.constant 1424 : index
      %get3A_981 = tpu.vector_load %arg5[%get3A_980] {strides = array<i32>} : memref<2048xi32, #tpu.memory_space<vmem>>, vector<16xi32>,
      %get3A_982 = vector.shape_cast %get3A_981 : vector<16xi32> to vector<16xi32>
      %mul3A_983 = arith.constant 2048 : i32
      %mul3A_984 = vector.broadcast %mul3A_983 : i32 to vector<16xi32>
      %mul3A_985 = arith.muli %get3A_982, %mul3A_984 : vector<16xi32>
      %sub3A_986 = arith.constant 623 : i32
      %sub3A_987 = vector.broadcast %sub3A_986 : i32 to vector<16xi32>
      %sub3A_988 = arith.subi %sub3A_987, %iota3A : vector<16xi32>
      %add3A_989 = arith.addi %mul3A_985, %sub3A_988 : vector<16xi32>
      %max3A_990 = arith.maxsi %max3A_979, %add3A_989 : vector<16xi32>
      %get3A_991 = arith.constant 1440 : index
      %get3A_992 = tpu.vector_load %arg5[%get3A_991] {strides = array<i32>} : memref<2048xi32, #tpu.memory_space<vmem>>, vector<16xi32>,
      %get3A_993 = vector.shape_cast %get3A_992 : vector<16xi32> to vector<16xi32>
      %mul3A_994 = arith.constant 2048 : i32
      %mul3A_995 = vector.broadcast %mul3A_994 : i32 to vector<16xi32>
      %mul3A_996 = arith.muli %get3A_993, %mul3A_995 : vector<16xi32>
      %sub3A_997 = arith.constant 607 : i32
      %sub3A_998 = vector.broadcast %sub3A_997 : i32 to vector<16xi32>
      %sub3A_999 = arith.subi %sub3A_998, %iota3A : vector<16xi32>
      %add3A_1000 = arith.addi %mul3A_996, %sub3A_999 : vector<16xi32>
      %max3A_1001 = arith.maxsi %max3A_990, %add3A_1000 : vector<16xi32>
      %get3A_1002 = arith.constant 1456 : index
      %get3A_1003 = tpu.vector_load %arg5[%get3A_1002] {strides = array<i32>} : memref<2048xi32, #tpu.memory_space<vmem>>, vector<16xi32>,
      %get3A_1004 = vector.shape_cast %get3A_1003 : vector<16xi32> to vector<16xi32>
      %mul3A_1005 = arith.constant 2048 : i32
      %mul3A_1006 = vector.broadcast %mul3A_1005 : i32 to vector<16xi32>
      %mul3A_1007 = arith.muli %get3A_1004, %mul3A_1006 : vector<16xi32>
      %sub3A_1008 = arith.constant 591 : i32
      %sub3A_1009 = vector.broadcast %sub3A_1008 : i32 to vector<16xi32>
      %sub3A_1010 = arith.subi %sub3A_1009, %iota3A : vector<16xi32>
      %add3A_1011 = arith.addi %mul3A_1007, %sub3A_1010 : vector<16xi32>
      %max3A_1012 = arith.maxsi %max3A_1001, %add3A_1011 : vector<16xi32>
      %get3A_1013 = arith.constant 1472 : index
      %get3A_1014 = tpu.vector_load %arg5[%get3A_1013] {strides = array<i32>} : memref<2048xi32, #tpu.memory_space<vmem>>, vector<16xi32>,
      %get3A_1015 = vector.shape_cast %get3A_1014 : vector<16xi32> to vector<16xi32>
      %mul3A_1016 = arith.constant 2048 : i32
      %mul3A_1017 = vector.broadcast %mul3A_1016 : i32 to vector<16xi32>
      %mul3A_1018 = arith.muli %get3A_1015, %mul3A_1017 : vector<16xi32>
      %sub3A_1019 = arith.constant 575 : i32
      %sub3A_1020 = vector.broadcast %sub3A_1019 : i32 to vector<16xi32>
      %sub3A_1021 = arith.subi %sub3A_1020, %iota3A : vector<16xi32>
      %add3A_1022 = arith.addi %mul3A_1018, %sub3A_1021 : vector<16xi32>
      %max3A_1023 = arith.maxsi %max3A_1012, %add3A_1022 : vector<16xi32>
      %get3A_1024 = arith.constant 1488 : index
      %get3A_1025 = tpu.vector_load %arg5[%get3A_1024] {strides = array<i32>} : memref<2048xi32, #tpu.memory_space<vmem>>, vector<16xi32>,
      %get3A_1026 = vector.shape_cast %get3A_1025 : vector<16xi32> to vector<16xi32>
      %mul3A_1027 = arith.constant 2048 : i32
      %mul3A_1028 = vector.broadcast %mul3A_1027 : i32 to vector<16xi32>
      %mul3A_1029 = arith.muli %get3A_1026, %mul3A_1028 : vector<16xi32>
      %sub3A_1030 = arith.constant 559 : i32
      %sub3A_1031 = vector.broadcast %sub3A_1030 : i32 to vector<16xi32>
      %sub3A_1032 = arith.subi %sub3A_1031, %iota3A : vector<16xi32>
      %add3A_1033 = arith.addi %mul3A_1029, %sub3A_1032 : vector<16xi32>
      %max3A_1034 = arith.maxsi %max3A_1023, %add3A_1033 : vector<16xi32>
      %get3A_1035 = arith.constant 1504 : index
      %get3A_1036 = tpu.vector_load %arg5[%get3A_1035] {strides = array<i32>} : memref<2048xi32, #tpu.memory_space<vmem>>, vector<16xi32>,
      %get3A_1037 = vector.shape_cast %get3A_1036 : vector<16xi32> to vector<16xi32>
      %mul3A_1038 = arith.constant 2048 : i32
      %mul3A_1039 = vector.broadcast %mul3A_1038 : i32 to vector<16xi32>
      %mul3A_1040 = arith.muli %get3A_1037, %mul3A_1039 : vector<16xi32>
      %sub3A_1041 = arith.constant 543 : i32
      %sub3A_1042 = vector.broadcast %sub3A_1041 : i32 to vector<16xi32>
      %sub3A_1043 = arith.subi %sub3A_1042, %iota3A : vector<16xi32>
      %add3A_1044 = arith.addi %mul3A_1040, %sub3A_1043 : vector<16xi32>
      %max3A_1045 = arith.maxsi %max3A_1034, %add3A_1044 : vector<16xi32>
      %get3A_1046 = arith.constant 1520 : index
      %get3A_1047 = tpu.vector_load %arg5[%get3A_1046] {strides = array<i32>} : memref<2048xi32, #tpu.memory_space<vmem>>, vector<16xi32>,
      %get3A_1048 = vector.shape_cast %get3A_1047 : vector<16xi32> to vector<16xi32>
      %mul3A_1049 = arith.constant 2048 : i32
      %mul3A_1050 = vector.broadcast %mul3A_1049 : i32 to vector<16xi32>
      %mul3A_1051 = arith.muli %get3A_1048, %mul3A_1050 : vector<16xi32>
      %sub3A_1052 = arith.constant 527 : i32
      %sub3A_1053 = vector.broadcast %sub3A_1052 : i32 to vector<16xi32>
      %sub3A_1054 = arith.subi %sub3A_1053, %iota3A : vector<16xi32>
      %add3A_1055 = arith.addi %mul3A_1051, %sub3A_1054 : vector<16xi32>
      %max3A_1056 = arith.maxsi %max3A_1045, %add3A_1055 : vector<16xi32>
      %get3A_1057 = arith.constant 1536 : index
      %get3A_1058 = tpu.vector_load %arg5[%get3A_1057] {strides = array<i32>} : memref<2048xi32, #tpu.memory_space<vmem>>, vector<16xi32>,
      %get3A_1059 = vector.shape_cast %get3A_1058 : vector<16xi32> to vector<16xi32>
      %mul3A_1060 = arith.constant 2048 : i32
      %mul3A_1061 = vector.broadcast %mul3A_1060 : i32 to vector<16xi32>
      %mul3A_1062 = arith.muli %get3A_1059, %mul3A_1061 : vector<16xi32>
      %sub3A_1063 = arith.constant 511 : i32
      %sub3A_1064 = vector.broadcast %sub3A_1063 : i32 to vector<16xi32>
      %sub3A_1065 = arith.subi %sub3A_1064, %iota3A : vector<16xi32>
      %add3A_1066 = arith.addi %mul3A_1062, %sub3A_1065 : vector<16xi32>
      %max3A_1067 = arith.maxsi %max3A_1056, %add3A_1066 : vector<16xi32>
      %get3A_1068 = arith.constant 1552 : index
      %get3A_1069 = tpu.vector_load %arg5[%get3A_1068] {strides = array<i32>} : memref<2048xi32, #tpu.memory_space<vmem>>, vector<16xi32>,
      %get3A_1070 = vector.shape_cast %get3A_1069 : vector<16xi32> to vector<16xi32>
      %mul3A_1071 = arith.constant 2048 : i32
      %mul3A_1072 = vector.broadcast %mul3A_1071 : i32 to vector<16xi32>
      %mul3A_1073 = arith.muli %get3A_1070, %mul3A_1072 : vector<16xi32>
      %sub3A_1074 = arith.constant 495 : i32
      %sub3A_1075 = vector.broadcast %sub3A_1074 : i32 to vector<16xi32>
      %sub3A_1076 = arith.subi %sub3A_1075, %iota3A : vector<16xi32>
      %add3A_1077 = arith.addi %mul3A_1073, %sub3A_1076 : vector<16xi32>
      %max3A_1078 = arith.maxsi %max3A_1067, %add3A_1077 : vector<16xi32>
      %get3A_1079 = arith.constant 1568 : index
      %get3A_1080 = tpu.vector_load %arg5[%get3A_1079] {strides = array<i32>} : memref<2048xi32, #tpu.memory_space<vmem>>, vector<16xi32>,
      %get3A_1081 = vector.shape_cast %get3A_1080 : vector<16xi32> to vector<16xi32>
      %mul3A_1082 = arith.constant 2048 : i32
      %mul3A_1083 = vector.broadcast %mul3A_1082 : i32 to vector<16xi32>
      %mul3A_1084 = arith.muli %get3A_1081, %mul3A_1083 : vector<16xi32>
      %sub3A_1085 = arith.constant 479 : i32
      %sub3A_1086 = vector.broadcast %sub3A_1085 : i32 to vector<16xi32>
      %sub3A_1087 = arith.subi %sub3A_1086, %iota3A : vector<16xi32>
      %add3A_1088 = arith.addi %mul3A_1084, %sub3A_1087 : vector<16xi32>
      %max3A_1089 = arith.maxsi %max3A_1078, %add3A_1088 : vector<16xi32>
      %get3A_1090 = arith.constant 1584 : index
      %get3A_1091 = tpu.vector_load %arg5[%get3A_1090] {strides = array<i32>} : memref<2048xi32, #tpu.memory_space<vmem>>, vector<16xi32>,
      %get3A_1092 = vector.shape_cast %get3A_1091 : vector<16xi32> to vector<16xi32>
      %mul3A_1093 = arith.constant 2048 : i32
      %mul3A_1094 = vector.broadcast %mul3A_1093 : i32 to vector<16xi32>
      %mul3A_1095 = arith.muli %get3A_1092, %mul3A_1094 : vector<16xi32>
      %sub3A_1096 = arith.constant 463 : i32
      %sub3A_1097 = vector.broadcast %sub3A_1096 : i32 to vector<16xi32>
      %sub3A_1098 = arith.subi %sub3A_1097, %iota3A : vector<16xi32>
      %add3A_1099 = arith.addi %mul3A_1095, %sub3A_1098 : vector<16xi32>
      %max3A_1100 = arith.maxsi %max3A_1089, %add3A_1099 : vector<16xi32>
      %get3A_1101 = arith.constant 1600 : index
      %get3A_1102 = tpu.vector_load %arg5[%get3A_1101] {strides = array<i32>} : memref<2048xi32, #tpu.memory_space<vmem>>, vector<16xi32>,
      %get3A_1103 = vector.shape_cast %get3A_1102 : vector<16xi32> to vector<16xi32>
      %mul3A_1104 = arith.constant 2048 : i32
      %mul3A_1105 = vector.broadcast %mul3A_1104 : i32 to vector<16xi32>
      %mul3A_1106 = arith.muli %get3A_1103, %mul3A_1105 : vector<16xi32>
      %sub3A_1107 = arith.constant 447 : i32
      %sub3A_1108 = vector.broadcast %sub3A_1107 : i32 to vector<16xi32>
      %sub3A_1109 = arith.subi %sub3A_1108, %iota3A : vector<16xi32>
      %add3A_1110 = arith.addi %mul3A_1106, %sub3A_1109 : vector<16xi32>
      %max3A_1111 = arith.maxsi %max3A_1100, %add3A_1110 : vector<16xi32>
      %get3A_1112 = arith.constant 1616 : index
      %get3A_1113 = tpu.vector_load %arg5[%get3A_1112] {strides = array<i32>} : memref<2048xi32, #tpu.memory_space<vmem>>, vector<16xi32>,
      %get3A_1114 = vector.shape_cast %get3A_1113 : vector<16xi32> to vector<16xi32>
      %mul3A_1115 = arith.constant 2048 : i32
      %mul3A_1116 = vector.broadcast %mul3A_1115 : i32 to vector<16xi32>
      %mul3A_1117 = arith.muli %get3A_1114, %mul3A_1116 : vector<16xi32>
      %sub3A_1118 = arith.constant 431 : i32
      %sub3A_1119 = vector.broadcast %sub3A_1118 : i32 to vector<16xi32>
      %sub3A_1120 = arith.subi %sub3A_1119, %iota3A : vector<16xi32>
      %add3A_1121 = arith.addi %mul3A_1117, %sub3A_1120 : vector<16xi32>
      %max3A_1122 = arith.maxsi %max3A_1111, %add3A_1121 : vector<16xi32>
      %get3A_1123 = arith.constant 1632 : index
      %get3A_1124 = tpu.vector_load %arg5[%get3A_1123] {strides = array<i32>} : memref<2048xi32, #tpu.memory_space<vmem>>, vector<16xi32>,
      %get3A_1125 = vector.shape_cast %get3A_1124 : vector<16xi32> to vector<16xi32>
      %mul3A_1126 = arith.constant 2048 : i32
      %mul3A_1127 = vector.broadcast %mul3A_1126 : i32 to vector<16xi32>
      %mul3A_1128 = arith.muli %get3A_1125, %mul3A_1127 : vector<16xi32>
      %sub3A_1129 = arith.constant 415 : i32
      %sub3A_1130 = vector.broadcast %sub3A_1129 : i32 to vector<16xi32>
      %sub3A_1131 = arith.subi %sub3A_1130, %iota3A : vector<16xi32>
      %add3A_1132 = arith.addi %mul3A_1128, %sub3A_1131 : vector<16xi32>
      %max3A_1133 = arith.maxsi %max3A_1122, %add3A_1132 : vector<16xi32>
      %get3A_1134 = arith.constant 1648 : index
      %get3A_1135 = tpu.vector_load %arg5[%get3A_1134] {strides = array<i32>} : memref<2048xi32, #tpu.memory_space<vmem>>, vector<16xi32>,
      %get3A_1136 = vector.shape_cast %get3A_1135 : vector<16xi32> to vector<16xi32>
      %mul3A_1137 = arith.constant 2048 : i32
      %mul3A_1138 = vector.broadcast %mul3A_1137 : i32 to vector<16xi32>
      %mul3A_1139 = arith.muli %get3A_1136, %mul3A_1138 : vector<16xi32>
      %sub3A_1140 = arith.constant 399 : i32
      %sub3A_1141 = vector.broadcast %sub3A_1140 : i32 to vector<16xi32>
      %sub3A_1142 = arith.subi %sub3A_1141, %iota3A : vector<16xi32>
      %add3A_1143 = arith.addi %mul3A_1139, %sub3A_1142 : vector<16xi32>
      %max3A_1144 = arith.maxsi %max3A_1133, %add3A_1143 : vector<16xi32>
      %get3A_1145 = arith.constant 1664 : index
      %get3A_1146 = tpu.vector_load %arg5[%get3A_1145] {strides = array<i32>} : memref<2048xi32, #tpu.memory_space<vmem>>, vector<16xi32>,
      %get3A_1147 = vector.shape_cast %get3A_1146 : vector<16xi32> to vector<16xi32>
      %mul3A_1148 = arith.constant 2048 : i32
      %mul3A_1149 = vector.broadcast %mul3A_1148 : i32 to vector<16xi32>
      %mul3A_1150 = arith.muli %get3A_1147, %mul3A_1149 : vector<16xi32>
      %sub3A_1151 = arith.constant 383 : i32
      %sub3A_1152 = vector.broadcast %sub3A_1151 : i32 to vector<16xi32>
      %sub3A_1153 = arith.subi %sub3A_1152, %iota3A : vector<16xi32>
      %add3A_1154 = arith.addi %mul3A_1150, %sub3A_1153 : vector<16xi32>
      %max3A_1155 = arith.maxsi %max3A_1144, %add3A_1154 : vector<16xi32>
      %get3A_1156 = arith.constant 1680 : index
      %get3A_1157 = tpu.vector_load %arg5[%get3A_1156] {strides = array<i32>} : memref<2048xi32, #tpu.memory_space<vmem>>, vector<16xi32>,
      %get3A_1158 = vector.shape_cast %get3A_1157 : vector<16xi32> to vector<16xi32>
      %mul3A_1159 = arith.constant 2048 : i32
      %mul3A_1160 = vector.broadcast %mul3A_1159 : i32 to vector<16xi32>
      %mul3A_1161 = arith.muli %get3A_1158, %mul3A_1160 : vector<16xi32>
      %sub3A_1162 = arith.constant 367 : i32
      %sub3A_1163 = vector.broadcast %sub3A_1162 : i32 to vector<16xi32>
      %sub3A_1164 = arith.subi %sub3A_1163, %iota3A : vector<16xi32>
      %add3A_1165 = arith.addi %mul3A_1161, %sub3A_1164 : vector<16xi32>
      %max3A_1166 = arith.maxsi %max3A_1155, %add3A_1165 : vector<16xi32>
      %get3A_1167 = arith.constant 1696 : index
      %get3A_1168 = tpu.vector_load %arg5[%get3A_1167] {strides = array<i32>} : memref<2048xi32, #tpu.memory_space<vmem>>, vector<16xi32>,
      %get3A_1169 = vector.shape_cast %get3A_1168 : vector<16xi32> to vector<16xi32>
      %mul3A_1170 = arith.constant 2048 : i32
      %mul3A_1171 = vector.broadcast %mul3A_1170 : i32 to vector<16xi32>
      %mul3A_1172 = arith.muli %get3A_1169, %mul3A_1171 : vector<16xi32>
      %sub3A_1173 = arith.constant 351 : i32
      %sub3A_1174 = vector.broadcast %sub3A_1173 : i32 to vector<16xi32>
      %sub3A_1175 = arith.subi %sub3A_1174, %iota3A : vector<16xi32>
      %add3A_1176 = arith.addi %mul3A_1172, %sub3A_1175 : vector<16xi32>
      %max3A_1177 = arith.maxsi %max3A_1166, %add3A_1176 : vector<16xi32>
      %get3A_1178 = arith.constant 1712 : index
      %get3A_1179 = tpu.vector_load %arg5[%get3A_1178] {strides = array<i32>} : memref<2048xi32, #tpu.memory_space<vmem>>, vector<16xi32>,
      %get3A_1180 = vector.shape_cast %get3A_1179 : vector<16xi32> to vector<16xi32>
      %mul3A_1181 = arith.constant 2048 : i32
      %mul3A_1182 = vector.broadcast %mul3A_1181 : i32 to vector<16xi32>
      %mul3A_1183 = arith.muli %get3A_1180, %mul3A_1182 : vector<16xi32>
      %sub3A_1184 = arith.constant 335 : i32
      %sub3A_1185 = vector.broadcast %sub3A_1184 : i32 to vector<16xi32>
      %sub3A_1186 = arith.subi %sub3A_1185, %iota3A : vector<16xi32>
      %add3A_1187 = arith.addi %mul3A_1183, %sub3A_1186 : vector<16xi32>
      %max3A_1188 = arith.maxsi %max3A_1177, %add3A_1187 : vector<16xi32>
      %get3A_1189 = arith.constant 1728 : index
      %get3A_1190 = tpu.vector_load %arg5[%get3A_1189] {strides = array<i32>} : memref<2048xi32, #tpu.memory_space<vmem>>, vector<16xi32>,
      %get3A_1191 = vector.shape_cast %get3A_1190 : vector<16xi32> to vector<16xi32>
      %mul3A_1192 = arith.constant 2048 : i32
      %mul3A_1193 = vector.broadcast %mul3A_1192 : i32 to vector<16xi32>
      %mul3A_1194 = arith.muli %get3A_1191, %mul3A_1193 : vector<16xi32>
      %sub3A_1195 = arith.constant 319 : i32
      %sub3A_1196 = vector.broadcast %sub3A_1195 : i32 to vector<16xi32>
      %sub3A_1197 = arith.subi %sub3A_1196, %iota3A : vector<16xi32>
      %add3A_1198 = arith.addi %mul3A_1194, %sub3A_1197 : vector<16xi32>
      %max3A_1199 = arith.maxsi %max3A_1188, %add3A_1198 : vector<16xi32>
      %get3A_1200 = arith.constant 1744 : index
      %get3A_1201 = tpu.vector_load %arg5[%get3A_1200] {strides = array<i32>} : memref<2048xi32, #tpu.memory_space<vmem>>, vector<16xi32>,
      %get3A_1202 = vector.shape_cast %get3A_1201 : vector<16xi32> to vector<16xi32>
      %mul3A_1203 = arith.constant 2048 : i32
      %mul3A_1204 = vector.broadcast %mul3A_1203 : i32 to vector<16xi32>
      %mul3A_1205 = arith.muli %get3A_1202, %mul3A_1204 : vector<16xi32>
      %sub3A_1206 = arith.constant 303 : i32
      %sub3A_1207 = vector.broadcast %sub3A_1206 : i32 to vector<16xi32>
      %sub3A_1208 = arith.subi %sub3A_1207, %iota3A : vector<16xi32>
      %add3A_1209 = arith.addi %mul3A_1205, %sub3A_1208 : vector<16xi32>
      %max3A_1210 = arith.maxsi %max3A_1199, %add3A_1209 : vector<16xi32>
      %get3A_1211 = arith.constant 1760 : index
      %get3A_1212 = tpu.vector_load %arg5[%get3A_1211] {strides = array<i32>} : memref<2048xi32, #tpu.memory_space<vmem>>, vector<16xi32>,
      %get3A_1213 = vector.shape_cast %get3A_1212 : vector<16xi32> to vector<16xi32>
      %mul3A_1214 = arith.constant 2048 : i32
      %mul3A_1215 = vector.broadcast %mul3A_1214 : i32 to vector<16xi32>
      %mul3A_1216 = arith.muli %get3A_1213, %mul3A_1215 : vector<16xi32>
      %sub3A_1217 = arith.constant 287 : i32
      %sub3A_1218 = vector.broadcast %sub3A_1217 : i32 to vector<16xi32>
      %sub3A_1219 = arith.subi %sub3A_1218, %iota3A : vector<16xi32>
      %add3A_1220 = arith.addi %mul3A_1216, %sub3A_1219 : vector<16xi32>
      %max3A_1221 = arith.maxsi %max3A_1210, %add3A_1220 : vector<16xi32>
      %get3A_1222 = arith.constant 1776 : index
      %get3A_1223 = tpu.vector_load %arg5[%get3A_1222] {strides = array<i32>} : memref<2048xi32, #tpu.memory_space<vmem>>, vector<16xi32>,
      %get3A_1224 = vector.shape_cast %get3A_1223 : vector<16xi32> to vector<16xi32>
      %mul3A_1225 = arith.constant 2048 : i32
      %mul3A_1226 = vector.broadcast %mul3A_1225 : i32 to vector<16xi32>
      %mul3A_1227 = arith.muli %get3A_1224, %mul3A_1226 : vector<16xi32>
      %sub3A_1228 = arith.constant 271 : i32
      %sub3A_1229 = vector.broadcast %sub3A_1228 : i32 to vector<16xi32>
      %sub3A_1230 = arith.subi %sub3A_1229, %iota3A : vector<16xi32>
      %add3A_1231 = arith.addi %mul3A_1227, %sub3A_1230 : vector<16xi32>
      %max3A_1232 = arith.maxsi %max3A_1221, %add3A_1231 : vector<16xi32>
      %get3A_1233 = arith.constant 1792 : index
      %get3A_1234 = tpu.vector_load %arg5[%get3A_1233] {strides = array<i32>} : memref<2048xi32, #tpu.memory_space<vmem>>, vector<16xi32>,
      %get3A_1235 = vector.shape_cast %get3A_1234 : vector<16xi32> to vector<16xi32>
      %mul3A_1236 = arith.constant 2048 : i32
      %mul3A_1237 = vector.broadcast %mul3A_1236 : i32 to vector<16xi32>
      %mul3A_1238 = arith.muli %get3A_1235, %mul3A_1237 : vector<16xi32>
      %sub3A_1239 = arith.constant 255 : i32
      %sub3A_1240 = vector.broadcast %sub3A_1239 : i32 to vector<16xi32>
      %sub3A_1241 = arith.subi %sub3A_1240, %iota3A : vector<16xi32>
      %add3A_1242 = arith.addi %mul3A_1238, %sub3A_1241 : vector<16xi32>
      %max3A_1243 = arith.maxsi %max3A_1232, %add3A_1242 : vector<16xi32>
      %get3A_1244 = arith.constant 1808 : index
      %get3A_1245 = tpu.vector_load %arg5[%get3A_1244] {strides = array<i32>} : memref<2048xi32, #tpu.memory_space<vmem>>, vector<16xi32>,
      %get3A_1246 = vector.shape_cast %get3A_1245 : vector<16xi32> to vector<16xi32>
      %mul3A_1247 = arith.constant 2048 : i32
      %mul3A_1248 = vector.broadcast %mul3A_1247 : i32 to vector<16xi32>
      %mul3A_1249 = arith.muli %get3A_1246, %mul3A_1248 : vector<16xi32>
      %sub3A_1250 = arith.constant 239 : i32
      %sub3A_1251 = vector.broadcast %sub3A_1250 : i32 to vector<16xi32>
      %sub3A_1252 = arith.subi %sub3A_1251, %iota3A : vector<16xi32>
      %add3A_1253 = arith.addi %mul3A_1249, %sub3A_1252 : vector<16xi32>
      %max3A_1254 = arith.maxsi %max3A_1243, %add3A_1253 : vector<16xi32>
      %get3A_1255 = arith.constant 1824 : index
      %get3A_1256 = tpu.vector_load %arg5[%get3A_1255] {strides = array<i32>} : memref<2048xi32, #tpu.memory_space<vmem>>, vector<16xi32>,
      %get3A_1257 = vector.shape_cast %get3A_1256 : vector<16xi32> to vector<16xi32>
      %mul3A_1258 = arith.constant 2048 : i32
      %mul3A_1259 = vector.broadcast %mul3A_1258 : i32 to vector<16xi32>
      %mul3A_1260 = arith.muli %get3A_1257, %mul3A_1259 : vector<16xi32>
      %sub3A_1261 = arith.constant 223 : i32
      %sub3A_1262 = vector.broadcast %sub3A_1261 : i32 to vector<16xi32>
      %sub3A_1263 = arith.subi %sub3A_1262, %iota3A : vector<16xi32>
      %add3A_1264 = arith.addi %mul3A_1260, %sub3A_1263 : vector<16xi32>
      %max3A_1265 = arith.maxsi %max3A_1254, %add3A_1264 : vector<16xi32>
      %get3A_1266 = arith.constant 1840 : index
      %get3A_1267 = tpu.vector_load %arg5[%get3A_1266] {strides = array<i32>} : memref<2048xi32, #tpu.memory_space<vmem>>, vector<16xi32>,
      %get3A_1268 = vector.shape_cast %get3A_1267 : vector<16xi32> to vector<16xi32>
      %mul3A_1269 = arith.constant 2048 : i32
      %mul3A_1270 = vector.broadcast %mul3A_1269 : i32 to vector<16xi32>
      %mul3A_1271 = arith.muli %get3A_1268, %mul3A_1270 : vector<16xi32>
      %sub3A_1272 = arith.constant 207 : i32
      %sub3A_1273 = vector.broadcast %sub3A_1272 : i32 to vector<16xi32>
      %sub3A_1274 = arith.subi %sub3A_1273, %iota3A : vector<16xi32>
      %add3A_1275 = arith.addi %mul3A_1271, %sub3A_1274 : vector<16xi32>
      %max3A_1276 = arith.maxsi %max3A_1265, %add3A_1275 : vector<16xi32>
      %get3A_1277 = arith.constant 1856 : index
      %get3A_1278 = tpu.vector_load %arg5[%get3A_1277] {strides = array<i32>} : memref<2048xi32, #tpu.memory_space<vmem>>, vector<16xi32>,
      %get3A_1279 = vector.shape_cast %get3A_1278 : vector<16xi32> to vector<16xi32>
      %mul3A_1280 = arith.constant 2048 : i32
      %mul3A_1281 = vector.broadcast %mul3A_1280 : i32 to vector<16xi32>
      %mul3A_1282 = arith.muli %get3A_1279, %mul3A_1281 : vector<16xi32>
      %sub3A_1283 = arith.constant 191 : i32
      %sub3A_1284 = vector.broadcast %sub3A_1283 : i32 to vector<16xi32>
      %sub3A_1285 = arith.subi %sub3A_1284, %iota3A : vector<16xi32>
      %add3A_1286 = arith.addi %mul3A_1282, %sub3A_1285 : vector<16xi32>
      %max3A_1287 = arith.maxsi %max3A_1276, %add3A_1286 : vector<16xi32>
      %get3A_1288 = arith.constant 1872 : index
      %get3A_1289 = tpu.vector_load %arg5[%get3A_1288] {strides = array<i32>} : memref<2048xi32, #tpu.memory_space<vmem>>, vector<16xi32>,
      %get3A_1290 = vector.shape_cast %get3A_1289 : vector<16xi32> to vector<16xi32>
      %mul3A_1291 = arith.constant 2048 : i32
      %mul3A_1292 = vector.broadcast %mul3A_1291 : i32 to vector<16xi32>
      %mul3A_1293 = arith.muli %get3A_1290, %mul3A_1292 : vector<16xi32>
      %sub3A_1294 = arith.constant 175 : i32
      %sub3A_1295 = vector.broadcast %sub3A_1294 : i32 to vector<16xi32>
      %sub3A_1296 = arith.subi %sub3A_1295, %iota3A : vector<16xi32>
      %add3A_1297 = arith.addi %mul3A_1293, %sub3A_1296 : vector<16xi32>
      %max3A_1298 = arith.maxsi %max3A_1287, %add3A_1297 : vector<16xi32>
      %get3A_1299 = arith.constant 1888 : index
      %get3A_1300 = tpu.vector_load %arg5[%get3A_1299] {strides = array<i32>} : memref<2048xi32, #tpu.memory_space<vmem>>, vector<16xi32>,
      %get3A_1301 = vector.shape_cast %get3A_1300 : vector<16xi32> to vector<16xi32>
      %mul3A_1302 = arith.constant 2048 : i32
      %mul3A_1303 = vector.broadcast %mul3A_1302 : i32 to vector<16xi32>
      %mul3A_1304 = arith.muli %get3A_1301, %mul3A_1303 : vector<16xi32>
      %sub3A_1305 = arith.constant 159 : i32
      %sub3A_1306 = vector.broadcast %sub3A_1305 : i32 to vector<16xi32>
      %sub3A_1307 = arith.subi %sub3A_1306, %iota3A : vector<16xi32>
      %add3A_1308 = arith.addi %mul3A_1304, %sub3A_1307 : vector<16xi32>
      %max3A_1309 = arith.maxsi %max3A_1298, %add3A_1308 : vector<16xi32>
      %get3A_1310 = arith.constant 1904 : index
      %get3A_1311 = tpu.vector_load %arg5[%get3A_1310] {strides = array<i32>} : memref<2048xi32, #tpu.memory_space<vmem>>, vector<16xi32>,
      %get3A_1312 = vector.shape_cast %get3A_1311 : vector<16xi32> to vector<16xi32>
      %mul3A_1313 = arith.constant 2048 : i32
      %mul3A_1314 = vector.broadcast %mul3A_1313 : i32 to vector<16xi32>
      %mul3A_1315 = arith.muli %get3A_1312, %mul3A_1314 : vector<16xi32>
      %sub3A_1316 = arith.constant 143 : i32
      %sub3A_1317 = vector.broadcast %sub3A_1316 : i32 to vector<16xi32>
      %sub3A_1318 = arith.subi %sub3A_1317, %iota3A : vector<16xi32>
      %add3A_1319 = arith.addi %mul3A_1315, %sub3A_1318 : vector<16xi32>
      %max3A_1320 = arith.maxsi %max3A_1309, %add3A_1319 : vector<16xi32>
      %get3A_1321 = arith.constant 1920 : index
      %get3A_1322 = tpu.vector_load %arg5[%get3A_1321] {strides = array<i32>} : memref<2048xi32, #tpu.memory_space<vmem>>, vector<16xi32>,
      %get3A_1323 = vector.shape_cast %get3A_1322 : vector<16xi32> to vector<16xi32>
      %mul3A_1324 = arith.constant 2048 : i32
      %mul3A_1325 = vector.broadcast %mul3A_1324 : i32 to vector<16xi32>
      %mul3A_1326 = arith.muli %get3A_1323, %mul3A_1325 : vector<16xi32>
      %sub3A_1327 = arith.constant 127 : i32
      %sub3A_1328 = vector.broadcast %sub3A_1327 : i32 to vector<16xi32>
      %sub3A_1329 = arith.subi %sub3A_1328, %iota3A : vector<16xi32>
      %add3A_1330 = arith.addi %mul3A_1326, %sub3A_1329 : vector<16xi32>
      %max3A_1331 = arith.maxsi %max3A_1320, %add3A_1330 : vector<16xi32>
      %get3A_1332 = arith.constant 1936 : index
      %get3A_1333 = tpu.vector_load %arg5[%get3A_1332] {strides = array<i32>} : memref<2048xi32, #tpu.memory_space<vmem>>, vector<16xi32>,
      %get3A_1334 = vector.shape_cast %get3A_1333 : vector<16xi32> to vector<16xi32>
      %mul3A_1335 = arith.constant 2048 : i32
      %mul3A_1336 = vector.broadcast %mul3A_1335 : i32 to vector<16xi32>
      %mul3A_1337 = arith.muli %get3A_1334, %mul3A_1336 : vector<16xi32>
      %sub3A_1338 = arith.constant 111 : i32
      %sub3A_1339 = vector.broadcast %sub3A_1338 : i32 to vector<16xi32>
      %sub3A_1340 = arith.subi %sub3A_1339, %iota3A : vector<16xi32>
      %add3A_1341 = arith.addi %mul3A_1337, %sub3A_1340 : vector<16xi32>
      %max3A_1342 = arith.maxsi %max3A_1331, %add3A_1341 : vector<16xi32>
      %get3A_1343 = arith.constant 1952 : index
      %get3A_1344 = tpu.vector_load %arg5[%get3A_1343] {strides = array<i32>} : memref<2048xi32, #tpu.memory_space<vmem>>, vector<16xi32>,
      %get3A_1345 = vector.shape_cast %get3A_1344 : vector<16xi32> to vector<16xi32>
      %mul3A_1346 = arith.constant 2048 : i32
      %mul3A_1347 = vector.broadcast %mul3A_1346 : i32 to vector<16xi32>
      %mul3A_1348 = arith.muli %get3A_1345, %mul3A_1347 : vector<16xi32>
      %sub3A_1349 = arith.constant 95 : i32
      %sub3A_1350 = vector.broadcast %sub3A_1349 : i32 to vector<16xi32>
      %sub3A_1351 = arith.subi %sub3A_1350, %iota3A : vector<16xi32>
      %add3A_1352 = arith.addi %mul3A_1348, %sub3A_1351 : vector<16xi32>
      %max3A_1353 = arith.maxsi %max3A_1342, %add3A_1352 : vector<16xi32>
      %get3A_1354 = arith.constant 1968 : index
      %get3A_1355 = tpu.vector_load %arg5[%get3A_1354] {strides = array<i32>} : memref<2048xi32, #tpu.memory_space<vmem>>, vector<16xi32>,
      %get3A_1356 = vector.shape_cast %get3A_1355 : vector<16xi32> to vector<16xi32>
      %mul3A_1357 = arith.constant 2048 : i32
      %mul3A_1358 = vector.broadcast %mul3A_1357 : i32 to vector<16xi32>
      %mul3A_1359 = arith.muli %get3A_1356, %mul3A_1358 : vector<16xi32>
      %sub3A_1360 = arith.constant 79 : i32
      %sub3A_1361 = vector.broadcast %sub3A_1360 : i32 to vector<16xi32>
      %sub3A_1362 = arith.subi %sub3A_1361, %iota3A : vector<16xi32>
      %add3A_1363 = arith.addi %mul3A_1359, %sub3A_1362 : vector<16xi32>
      %max3A_1364 = arith.maxsi %max3A_1353, %add3A_1363 : vector<16xi32>
      %get3A_1365 = arith.constant 1984 : index
      %get3A_1366 = tpu.vector_load %arg5[%get3A_1365] {strides = array<i32>} : memref<2048xi32, #tpu.memory_space<vmem>>, vector<16xi32>,
      %get3A_1367 = vector.shape_cast %get3A_1366 : vector<16xi32> to vector<16xi32>
      %mul3A_1368 = arith.constant 2048 : i32
      %mul3A_1369 = vector.broadcast %mul3A_1368 : i32 to vector<16xi32>
      %mul3A_1370 = arith.muli %get3A_1367, %mul3A_1369 : vector<16xi32>
      %sub3A_1371 = arith.constant 63 : i32
      %sub3A_1372 = vector.broadcast %sub3A_1371 : i32 to vector<16xi32>
      %sub3A_1373 = arith.subi %sub3A_1372, %iota3A : vector<16xi32>
      %add3A_1374 = arith.addi %mul3A_1370, %sub3A_1373 : vector<16xi32>
      %max3A_1375 = arith.maxsi %max3A_1364, %add3A_1374 : vector<16xi32>
      %get3A_1376 = arith.constant 2000 : index
      %get3A_1377 = tpu.vector_load %arg5[%get3A_1376] {strides = array<i32>} : memref<2048xi32, #tpu.memory_space<vmem>>, vector<16xi32>,
      %get3A_1378 = vector.shape_cast %get3A_1377 : vector<16xi32> to vector<16xi32>
      %mul3A_1379 = arith.constant 2048 : i32
      %mul3A_1380 = vector.broadcast %mul3A_1379 : i32 to vector<16xi32>
      %mul3A_1381 = arith.muli %get3A_1378, %mul3A_1380 : vector<16xi32>
      %sub3A_1382 = arith.constant 47 : i32
      %sub3A_1383 = vector.broadcast %sub3A_1382 : i32 to vector<16xi32>
      %sub3A_1384 = arith.subi %sub3A_1383, %iota3A : vector<16xi32>
      %add3A_1385 = arith.addi %mul3A_1381, %sub3A_1384 : vector<16xi32>
      %max3A_1386 = arith.maxsi %max3A_1375, %add3A_1385 : vector<16xi32>
      %get3A_1387 = arith.constant 2016 : index
      %get3A_1388 = tpu.vector_load %arg5[%get3A_1387] {strides = array<i32>} : memref<2048xi32, #tpu.memory_space<vmem>>, vector<16xi32>,
      %get3A_1389 = vector.shape_cast %get3A_1388 : vector<16xi32> to vector<16xi32>
      %mul3A_1390 = arith.constant 2048 : i32
      %mul3A_1391 = vector.broadcast %mul3A_1390 : i32 to vector<16xi32>
      %mul3A_1392 = arith.muli %get3A_1389, %mul3A_1391 : vector<16xi32>
      %sub3A_1393 = arith.constant 31 : i32
      %sub3A_1394 = vector.broadcast %sub3A_1393 : i32 to vector<16xi32>
      %sub3A_1395 = arith.subi %sub3A_1394, %iota3A : vector<16xi32>
      %add3A_1396 = arith.addi %mul3A_1392, %sub3A_1395 : vector<16xi32>
      %max3A_1397 = arith.maxsi %max3A_1386, %add3A_1396 : vector<16xi32>
      %get3A_1398 = arith.constant 2032 : index
      %get3A_1399 = tpu.vector_load %arg5[%get3A_1398] {strides = array<i32>} : memref<2048xi32, #tpu.memory_space<vmem>>, vector<16xi32>,
      %get3A_1400 = vector.shape_cast %get3A_1399 : vector<16xi32> to vector<16xi32>
      %mul3A_1401 = arith.constant 2048 : i32
      %mul3A_1402 = vector.broadcast %mul3A_1401 : i32 to vector<16xi32>
      %mul3A_1403 = arith.muli %get3A_1400, %mul3A_1402 : vector<16xi32>
      %sub3A_1404 = arith.constant 15 : i32
      %sub3A_1405 = vector.broadcast %sub3A_1404 : i32 to vector<16xi32>
      %sub3A_1406 = arith.subi %sub3A_1405, %iota3A : vector<16xi32>
      %add3A_1407 = arith.addi %mul3A_1403, %sub3A_1406 : vector<16xi32>
      %max3A_1408 = arith.maxsi %max3A_1397, %add3A_1407 : vector<16xi32>
      %slice3A = vector.extract_strided_slice %max3A_1408 {offsets = [0], sizes = [1], strides = [1]} : vector<16xi32> to vector<1xi32>
      %squeeze3A = vector.extract %slice3A[0] : i32 from vector<1xi32>
      %slice3A_1409 = vector.extract_strided_slice %max3A_1408 {offsets = [1], sizes = [1], strides = [1]} : vector<16xi32> to vector<1xi32>
      %squeeze3A_1410 = vector.extract %slice3A_1409[0] : i32 from vector<1xi32>
      %max3A_1411 = arith.maxsi %squeeze3A, %squeeze3A_1410 : i32
      %slice3A_1412 = vector.extract_strided_slice %max3A_1408 {offsets = [2], sizes = [1], strides = [1]} : vector<16xi32> to vector<1xi32>
      %squeeze3A_1413 = vector.extract %slice3A_1412[0] : i32 from vector<1xi32>
      %max3A_1414 = arith.maxsi %max3A_1411, %squeeze3A_1413 : i32
      %slice3A_1415 = vector.extract_strided_slice %max3A_1408 {offsets = [3], sizes = [1], strides = [1]} : vector<16xi32> to vector<1xi32>
      %squeeze3A_1416 = vector.extract %slice3A_1415[0] : i32 from vector<1xi32>
      %max3A_1417 = arith.maxsi %max3A_1414, %squeeze3A_1416 : i32
      %slice3A_1418 = vector.extract_strided_slice %max3A_1408 {offsets = [4], sizes = [1], strides = [1]} : vector<16xi32> to vector<1xi32>
      %squeeze3A_1419 = vector.extract %slice3A_1418[0] : i32 from vector<1xi32>
      %max3A_1420 = arith.maxsi %max3A_1417, %squeeze3A_1419 : i32
      %slice3A_1421 = vector.extract_strided_slice %max3A_1408 {offsets = [5], sizes = [1], strides = [1]} : vector<16xi32> to vector<1xi32>
      %squeeze3A_1422 = vector.extract %slice3A_1421[0] : i32 from vector<1xi32>
      %max3A_1423 = arith.maxsi %max3A_1420, %squeeze3A_1422 : i32
      %slice3A_1424 = vector.extract_strided_slice %max3A_1408 {offsets = [6], sizes = [1], strides = [1]} : vector<16xi32> to vector<1xi32>
      %squeeze3A_1425 = vector.extract %slice3A_1424[0] : i32 from vector<1xi32>
      %max3A_1426 = arith.maxsi %max3A_1423, %squeeze3A_1425 : i32
      %slice3A_1427 = vector.extract_strided_slice %max3A_1408 {offsets = [7], sizes = [1], strides = [1]} : vector<16xi32> to vector<1xi32>
      %squeeze3A_1428 = vector.extract %slice3A_1427[0] : i32 from vector<1xi32>
      %max3A_1429 = arith.maxsi %max3A_1426, %squeeze3A_1428 : i32
      %slice3A_1430 = vector.extract_strided_slice %max3A_1408 {offsets = [8], sizes = [1], strides = [1]} : vector<16xi32> to vector<1xi32>
      %squeeze3A_1431 = vector.extract %slice3A_1430[0] : i32 from vector<1xi32>
      %max3A_1432 = arith.maxsi %max3A_1429, %squeeze3A_1431 : i32
      %slice3A_1433 = vector.extract_strided_slice %max3A_1408 {offsets = [9], sizes = [1], strides = [1]} : vector<16xi32> to vector<1xi32>
      %squeeze3A_1434 = vector.extract %slice3A_1433[0] : i32 from vector<1xi32>
      %max3A_1435 = arith.maxsi %max3A_1432, %squeeze3A_1434 : i32
      %slice3A_1436 = vector.extract_strided_slice %max3A_1408 {offsets = [10], sizes = [1], strides = [1]} : vector<16xi32> to vector<1xi32>
      %squeeze3A_1437 = vector.extract %slice3A_1436[0] : i32 from vector<1xi32>
      %max3A_1438 = arith.maxsi %max3A_1435, %squeeze3A_1437 : i32
      %slice3A_1439 = vector.extract_strided_slice %max3A_1408 {offsets = [11], sizes = [1], strides = [1]} : vector<16xi32> to vector<1xi32>
      %squeeze3A_1440 = vector.extract %slice3A_1439[0] : i32 from vector<1xi32>
      %max3A_1441 = arith.maxsi %max3A_1438, %squeeze3A_1440 : i32
      %slice3A_1442 = vector.extract_strided_slice %max3A_1408 {offsets = [12], sizes = [1], strides = [1]} : vector<16xi32> to vector<1xi32>
      %squeeze3A_1443 = vector.extract %slice3A_1442[0] : i32 from vector<1xi32>
      %max3A_1444 = arith.maxsi %max3A_1441, %squeeze3A_1443 : i32
      %slice3A_1445 = vector.extract_strided_slice %max3A_1408 {offsets = [13], sizes = [1], strides = [1]} : vector<16xi32> to vector<1xi32>
      %squeeze3A_1446 = vector.extract %slice3A_1445[0] : i32 from vector<1xi32>
      %max3A_1447 = arith.maxsi %max3A_1444, %squeeze3A_1446 : i32
      %slice3A_1448 = vector.extract_strided_slice %max3A_1408 {offsets = [14], sizes = [1], strides = [1]} : vector<16xi32> to vector<1xi32>
      %squeeze3A_1449 = vector.extract %slice3A_1448[0] : i32 from vector<1xi32>
      %max3A_1450 = arith.maxsi %max3A_1447, %squeeze3A_1449 : i32
      %slice3A_1451 = vector.extract_strided_slice %max3A_1408 {offsets = [15], sizes = [1], strides = [1]} : vector<16xi32> to vector<1xi32>
      %squeeze3A_1452 = vector.extract %slice3A_1451[0] : i32 from vector<1xi32>
      %max3A_1453 = arith.maxsi %max3A_1450, %squeeze3A_1452 : i32
      %and3A = arith.constant 2047 : i32
      %and3A_1454 = arith.andi %max3A_1453, %and3A : i32
      %sub3A_1455 = arith.constant 2047 : i32
      %sub3A_1456 = arith.subi %sub3A_1455, %and3A_1454 : i32
      %mul3A_1457 = arith.constant 2048 : i32
      %mul3A_1458 = arith.muli %add3A, %mul3A_1457 : i32
      %add3A_1459 = arith.addi %mul3A_1458, %sub3A_1456 : i32
      "tpu.region"() ({
        %run_scoped3A = tpu.sem_alloc : memref<!tpu.dma_semaphore, #tpu.memory_space<semaphore_mem>>
        %dma_start3A = arith.constant 0 : i32
        %dma_start3A_1460 = tpu.memref_slice %arg4[%add3A, %dma_start3A] : memref<4x4096xf32, #tpu.memory_space<hbm>> -> memref<1x4096xf32, #tpu.memory_space<hbm>>
        %dma_start3A_1461 = tpu.memref_squeeze %dma_start3A_1460 : memref<1x4096xf32, #tpu.memory_space<hbm>> -> memref<4096xf32, #tpu.memory_space<hbm>>
        %dma_start3A_1462 = arith.constant 0 : i32
        %dma_start3A_1463 = tpu.memref_slice %arg2[%add3A_1459, %dma_start3A_1462] : memref<8192x4096xf32, #tpu.memory_space<hbm>> -> memref<1x4096xf32, #tpu.memory_space<hbm>>
        %dma_start3A_1464 = tpu.memref_squeeze %dma_start3A_1463 : memref<1x4096xf32, #tpu.memory_space<hbm>> -> memref<4096xf32, #tpu.memory_space<hbm>>
        tpu.enqueue_dma source(%dma_start3A_1464 : memref<4096xf32, #tpu.memory_space<hbm>>) target(%dma_start3A_1461 : memref<4096xf32, #tpu.memory_space<hbm>>) target_semaphore(%run_scoped3A : memref<!tpu.dma_semaphore, #tpu.memory_space<semaphore_mem>>)
        %dma_wait3A = arith.constant 0 : i32
        %dma_wait3A_1465 = tpu.memref_slice %arg4[%add3A, %dma_wait3A] : memref<4x4096xf32, #tpu.memory_space<hbm>> -> memref<1x4096xf32, #tpu.memory_space<hbm>>
        %dma_wait3A_1466 = tpu.memref_squeeze %dma_wait3A_1465 : memref<1x4096xf32, #tpu.memory_space<hbm>> -> memref<4096xf32, #tpu.memory_space<hbm>>
        %dma_wait3A_1467 = arith.constant 0 : i32
        %dma_wait3A_1468 = tpu.memref_slice %arg2[%add3A_1459, %dma_wait3A_1467] : memref<8192x4096xf32, #tpu.memory_space<hbm>> -> memref<1x4096xf32, #tpu.memory_space<hbm>>
        %dma_wait3A_1469 = tpu.memref_squeeze %dma_wait3A_1468 : memref<1x4096xf32, #tpu.memory_space<hbm>> -> memref<4096xf32, #tpu.memory_space<hbm>>
        tpu.wait_dma2 semaphore(%run_scoped3A : memref<!tpu.dma_semaphore, #tpu.memory_space<semaphore_mem>>) src(%dma_wait3A_1469 : memref<4096xf32, #tpu.memory_space<hbm>>) dst(%dma_wait3A_1466 : memref<4096xf32, #tpu.memory_space<hbm>>)
        tpu.yield
      }) : () -> ()
    } else {
    }
    return
  }
}

</mosaic_0001>

<sc_bundles>
// kernel: kernel.3.cloned.1.call-start
scs
__scs_entry_jumppad:
0x0: {  	(pc) =	sbr.rel $0x88, $3  }
0x1: {  	(tag) =	ssettag $0x0;
	lr =	simm.s32 $0x1  }
0x2: {  	[smem:$0x3F9F] =	sst lr;
	_ =	strace $0xD0000000  }
0x3: {  	_ = 	snop  }
0x4: {  	_ = 	snop  }
0x5: {  	_ = 	snop  }
0x6: {  	_ = 	snop  }
0x7: {  	_ = 	snop  }
__scs_overlays_trampoline_lowered:
0x8: {  	[smem:$0x3FAE] =	sst s0  }
0x9: {  	[smem:$0x3FAF] =	sst s1  }
0xa: {  	[smem:$0x3FB0] =	sst s2  }
0xb: {  	[smem:$0x3FB1] =	sst s3  }
0xc: {  	[smem:$0x3FB2] =	sst s4  }
0xd: {  	[smem:$0x3FB3] =	sst s5  }
0xe: {  	[smem:$0x3FB4] =	sst s6  }
0xf: {  	[smem:$0x3FB5] =	sst s7  }
0x10: {  	[smem:$0x3FB6] =	sst s8  }
0x11: {  	[smem:$0x3FB7] =	sst s9;
	s0 =	simm.s32 @!p0 $0x0  }
0x12: {  	s1 =	sld [smem:$0x3F9D];
	s0 =	simm.s32 @p0 $0x1  }
0x13: {  	[smem:$0x3FB8] =	sst s0;
	s0 =	simm.s32 @!p1 $0x0  }
0x14: {  	s2 =	sld [smem:$0x3F9C];
	s0 =	simm.s32 @p1 $0x1  }
0x15: {  	[smem:$0x3FB9] =	sst s0;
	s0 =	simm.s32 @!p2 $0x0  }
0x16: {  	s3 =	sld [smem:$0x3FDB];
	s0 =	simm.s32 @p2 $0x1  }
0x17: {  	s4 =	simm.s32 $0x1BF5;
	[smem:$0x3FBB] =	sst s0  }
0x18: {  	s0 =	sld [smem:$0x3F9E];
	_ =	swait.ge [sflag:s4], $0x0  }
0x19: {  	s7 =	sld [smem:$0x3F9F]  }
0x1a: {  	s8 =	sadd.s32 $0xFFFFE003, lr  }
0x1b: {  	s9 =	sadd.s32 $0xFFFFFEF7, lr;
	s5 =	simm.s32 $0xFFFFFFFF;
	p2 =	slt.u32 s8, $0xFFFFF086  }
0x1c: {  	p1 =	slt.u32 s9, $0xF7A;
	s5 =	simm.s32 @!p2 $0x0  }
0x1d: {  	s5 =	simm.s32 @p1 $0x1;
	p0 =	seq.s32 s7, s2  }
0x1e: {  	s7 =	smul.u32 @!p0 $0xF7A, s2;
	p2 =	seq.s32 @!p0 s5, $0x0  }
0x1f: {  	s9 =	smul.u32 $0xF7A, s1;
	s8 =	simm.s32 @!p0 $0x1BF5;
	p2 =	por !p2, p0  }
0x20: {  	[sflag:s8] =	ssyncset.s32 @!p0 $0xFFFFF086;
	s6 =	sadd.s32 @!p0 s3, s7;
	s7 =	simm.s32 @!p0 $0x108  }
0x21: {  	s3 =	sadd.s32 s3, s9;
	s6 =	sadd.s32 @!p0 $0x88, s6;
	s7 =	simm.s32 @p2 $0x1082  }
0x22: {  	[simem:s7], [sflag:s8] =	dma.local @!p0 [hbm:s6], $0xF7A  }
0x23: {  	s9 =	sor.u32 $0xD0000000, s2;
	s6 =	simm.s32 $0x108;
	_ =	swait.ge @!p0 [sflag:s8], $0x0  }
0x24: {  	s3 =	sadd.s32 $0x88, s3;
	s6 =	simm.s32 @!p1 $0x1082;
	[sflag:s4] =	ssyncset.s32 $0xFFFFF086  }
0x25: {  	[simem:s6], [sflag:s4] =	dma.local [hbm:s3], $0xF7A  }
0x26: {  	[smem:$0x3F9F] =	sst s1;
	(tag) =	ssettag s2;
	_ =	strace s9  }
0x27: {  	s1 =	sld [smem:$0x3FAF]  }
0x28: {  	s2 =	sld [smem:$0x3FB0]  }
0x29: {  	s4 =	sld [smem:$0x3FB2]  }
0x2a: {  	p0 =	seq.s32 s5, $0x0;
	s5 =	sld [smem:$0x3FB3]  }
0x2b: {  	s6 =	sld [smem:$0x3FB4]  }
0x2c: {  	s7 =	sld [smem:$0x3FB5]  }
0x2d: {  	s3 =	simm.s32 $0x108;
	s8 =	sld [smem:$0x3FB6]  }
0x2e: {  	s3 =	simm.s32 @!p0 $0x1082;
	s9 =	sld [smem:$0x3FB7]  }
0x2f: {  	lr =	sadd.s32 s0, s3;
	s0 =	sld [smem:$0x3FAE]  }
0x30: {  	s3 =	sld [smem:$0x3FB1]  }
0x31: {  	[smem:$0x3FBA] =	sst s10  }
0x32: {  	s10 =	sld [smem:$0x3FB8];
	_ =	sdelay $0x3  }
0x33: {  	p0 =	seq.s32 s10, $0x1;
	s10 =	sld [smem:$0x3FBA];
	_ =	sdelay $0x3  }
0x34: {  	[smem:$0x3FBA] =	sst s10  }
0x35: {  	s10 =	sld [smem:$0x3FB9];
	_ =	sdelay $0x3  }
0x36: {  	p1 =	seq.s32 s10, $0x1;
	s10 =	sld [smem:$0x3FBA];
	_ =	sdelay $0x3  }
0x37: {  	[smem:$0x3FBA] =	sst s10  }
0x38: {  	s10 =	sld [smem:$0x3FBB]  }
0x39: {  	_ = 	snop;
	(pc) =	sbr.ind lr, $3  }
0x3a: {  	_ = 	snop  }
0x3b: {  	_ = 	snop  }
0x3c: {  	p2 =	seq.s32 s10, $0x1;
	s10 =	sld [smem:$0x3FBA]  }
0x3d: {  	_ =	shalt  }
0x3e: {  	_ =	shalt  }
0x3f: {  	_ =	shalt  }
0x40: {  	_ =	shalt  }
0x41: {  	_ =	shalt  }
0x42: {  	_ =	shalt  }
0x43: {  	_ =	shalt  }
0x44: {  	_ =	shalt  }
0x45: {  	_ =	shalt  }
0x46: {  	_ =	shalt  }
0x47: {  	_ =	shalt  }
0x48: {  	_ =	shalt  }
0x49: {  	_ =	shalt  }
0x4a: {  	_ =	shalt  }
0x4b: {  	_ =	shalt  }
0x4c: {  	_ =	shalt  }
0x4d: {  	_ =	shalt  }
0x4e: {  	_ =	shalt  }
0x4f: {  	_ =	shalt  }
0x50: {  	_ =	shalt  }
0x51: {  	_ =	shalt  }
0x52: {  	_ =	shalt  }
0x53: {  	_ =	shalt  }
0x54: {  	_ =	shalt  }
0x55: {  	_ =	shalt  }
0x56: {  	_ =	shalt  }
0x57: {  	_ =	shalt  }
0x58: {  	_ =	shalt  }
0x59: {  	_ =	shalt  }
0x5a: {  	_ =	shalt  }
0x5b: {  	_ =	shalt  }
0x5c: {  	_ =	shalt  }
0x5d: {  	_ =	shalt  }
0x5e: {  	_ =	shalt  }
0x5f: {  	_ =	shalt  }
0x60: {  	_ =	shalt  }
0x61: {  	_ =	shalt  }
0x62: {  	_ =	shalt  }
0x63: {  	_ =	shalt  }
0x64: {  	_ =	shalt  }
0x65: {  	_ =	shalt  }
0x66: {  	_ =	shalt  }
0x67: {  	_ =	shalt  }
0x68: {  	_ =	shalt  }
0x69: {  	_ =	shalt  }
0x6a: {  	_ =	shalt  }
0x6b: {  	_ =	shalt  }
0x6c: {  	_ =	shalt  }
0x6d: {  	_ =	shalt  }
0x6e: {  	_ =	shalt  }
0x6f: {  	_ =	shalt  }
0x70: {  	_ =	shalt  }
0x71: {  	_ =	shalt  }
0x72: {  	_ =	shalt  }
0x73: {  	_ =	shalt  }
0x74: {  	_ =	shalt  }
0x75: {  	_ =	shalt  }
0x76: {  	_ =	shalt  }
0x77: {  	_ =	shalt  }
0x78: {  	_ =	shalt  }
0x79: {  	_ =	shalt  }
0x7a: {  	_ =	shalt  }
0x7b: {  	_ =	shalt  }
0x7c: {  	_ =	shalt  }
0x7d: {  	_ =	shalt  }
0x7e: {  	_ =	shalt  }
0x7f: {  	_ =	shalt  }
0x80: {  	_ =	shalt  }
0x81: {  	_ =	shalt  }
0x82: {  	_ =	shalt  }
0x83: {  	_ =	shalt  }
0x84: {  	_ =	shalt  }
0x85: {  	_ =	shalt  }
0x86: {  	_ =	shalt  }
0x87: {  	_ =	shalt  }
.Lfunc_end0:
.L_simem_size_0:
called_computation_lowered:
.L_overlay_start_0:
0x88: {  	s2 =	sld [smem:$0x3FD9]  }
0x89: {  	s3 =	sld [smem:$0x3FFE];
	_ =	sdelay $0x1  }
0x8a: {  	s1 =	srdreg.scid  }
0x8b: {  	s0 =	sand.u32 $0x1, s1  }
0x8c: {  	s18 =	sshll.u32 s0, $0xA;
	s2 =	sadd.s32 s3, s2  }
0x8d: {  	s2 =	sadd.s32 s2, s18  }
0x8e: {  	[smem:$0x3FC6] =	sst s2  }
0x8f: {  	_ = 	snop  }
0x90: {  	s2 =	sld [smem:$0x3FC9]  }
0x91: {  	s19 =	sld [smem:$0x3FC8]  }
0x92: {  	s4 =	sld [smem:$0x3FD0];
	(tm) =	ssettm $0x1  }
0x93: {  	s5 =	sld [smem:$0x3FFB];
	_ =	sdelay $0x3  }
0x94: {  	_ =	strace s5  }
0x95: {  	s5 =	sld [smem:$0x3FFC];
	_ =	sdelay $0x3  }
0x96: {  	_ =	strace s5  }
0x97: {  	s5 =	sld [smem:$0x3FFD];
	_ =	sdelay $0x3  }
0x98: {  	_ =	strace s5  }
0x99: {  	_ =	strace $0x8FFFFFFF  }
0x9a: {  	s20 =	sld [smem:$0x3FDB];
	_ =	sdelay $0x1  }
0x9b: {  	s6 =	simm.s32 $_scs_section_size  }
0x9c: {  	s7 =	simm.s32 $_size__tile_overlayer_lowered;
	s8 =	simm.s32 $_tile_overlayer_lowered  }
0x9d: {  	s23 =	simm.s32 $0x1BFF;
	s22 =	sshll.u32 s8, $0x1;
	s5 =	sadd.s32 s6, s20  }
0x9e: {  	s9 =	simm.s32 $0x0;
	s21 =	sshll.u32 s7, $0x1;
	s7 =	sadd.s32 s22, s5  }
0x9f: {  	[timem:s9], [sflag:s23] =	dma.local [hbm:s7], s21  }
0xa0: {  	_ =	swait.ge [sflag:s23], s21  }
0xa1: {  	s6 =	ssub.s32 $0x0, s21;
	[sflag:s23] =	ssyncset.done $0x0  }
0xa2: {  	[sflag:s23] =	ssyncadd.s32 s6;
	_ =	sdelay $0x1  }
0xa3: {  	s24 =	simm.s32 $0x1B8B  }
0xa4: {  	_ =	swait.ge [sflag:s24], $0x1  }
0xa5: {  	[sflag:s24] =	ssyncset.done $0x0  }
0xa6: {  	s25 =	simm.s32 $0x1B8E;
	[sflag:s24] =	ssyncadd.s32 $0xFFFFFFFF  }
0xa7: {  	s26 =	simm.s32 $execute0_lowered;
	[smem:$0x3FD2] =	sst s25  }
0xa8: {  	s6 =	sshll.u32 s26, $0x1;
	_ =	strace $0x80000046;
	[dreg:$0x1] =	wrdreg $0xFFFFFFFF  }
0xa9: {  	s28 =	simm.s32 $_size_execute0_lowered;
	s5 =	sadd.s32 s5, s6;
	[dreg:$0x0] =	wrdreg $0x0  }
0xaa: {  	s6 =	sshll.u32 s28, $0x1;
	[dreg:$0x2] =	wrdreg s5  }
0xab: {  	[dreg:$0x3] =	wrdreg s6  }
0xac: {  	[dreg:$0x4] =	wrdreg $0xC0  }
0xad: {  	_ =	task [dreg:s9], $0x5FFFF  }
0xae: {  	[dreg:$0x1] =	wrdreg $0xFFFFFFFF  }
0xaf: {  	[dreg:$0x0] =	wrdreg $0x60  }
0xb0: {  	[dreg:$0x2] =	wrdreg s2  }
0xb1: {  	[dreg:$0x3] =	wrdreg s19  }
0xb2: {  	[dreg:$0x4] =	wrdreg s4  }
0xb3: {  	[dreg:$0x5] =	wrdreg $0x9  }
0xb4: {  	_ =	task.clear_ibuf [dreg:s9], $0x6FFFF;
	_ =	strace $0x90000046  }
0xb5: {  	s29 =	simm.s32 $0x9;
	_ =	strace $0x80000048  }
0xb6: {  	_ =	swait.ge [sflag:s29], $0x1  }
0xb7: {  	[sflag:s29] =	ssyncadd.s32 $0xFFFFFFFF  }
0xb8: {  	_ =	strace $0x90000048  }
0xb9: {  	_ =	sfence  }
0xba: {  	s30 =	sld [smem:$0x0];
	_ =	sdelay $0x2  }
0xbb: {  	s31 =	sshll.u32 s1, $0xD;
	s1 =	sshrl.u32 s1, $0x2  }
0xbc: {  	s3 =	sand.u32 $0x4000, s31;
	s1 =	sadd.s32 s1, s30  }
0xbd: {  	s0 =	sor.u32 s3, s0;
	s1 =	sshll.u32 s1, $0x11  }
0xbe: {  	s0 =	sor.u32 s1, s0  }
0xbf: {  	s0 =	sadd.s32 $0x8F2B, s0  }
0xc0: {  	[sflag:s0] =	ssyncadd.remote.s32 $0x1  }
0xc1: {  	_ =	sfence.sel $0xFFFF  }
0xc2: {  	[dreg:$0x0] =	wrdreg $0xFFFFFFFF;
	(pc) =	sbr.abs _section_cstart, $3  }
0xc3: {  	[dreg:$0x1] =	wrdreg $0xFFFFFFFF  }
0xc4: {  	_ =	task.clear_ibuf [dreg:s9], $0x2FFFF;
	_ =	strace $0x9FFFFFFF  }
0xc5: {  	(tm) =	ssettm $0x7FFFFFFF  }
tec
execute0_lowered:
.L_overlay_start_1:
0x0: {  	(tag) =	ssettag $0x1  }
0x1: {  	s1 =	stileid.u32  }
0x2: {  	s0 =	rddreg [dreg:$0x0];
	p0 =	sgt.u32 s1, $0x1  }
.Ltmp0:
0x3: {  	s3 =	rddreg [dreg:$0x1];
	(pc) =	sbr.rel @p0 .LBB2_4-.Ltmp0, $4  }
0x4: {  	s4 =	rddreg [dreg:$0x2]  }
0x5: {  	s2 =	simm.s32 $0x0;
	[dreg:$0x7] =	wrdreg s0  }
0x6: {  	[smem:$0x7FF] =	sst s2  }
0x7: {  	s0 =	rddreg [dreg:$0x3];
	_ =	strace $0x80000047  }
0x8: {  	s5 =	srdreg.scid;
	s6 =	sshll.u32 s1, $0x1;
	s23 =	simm.s32 $0x200  }
0x9: {  	s8 =	simm.s32 $0x40;
	s5 =	sand.u32 $0x1, s5;
	[dreg:$0x5] =	wrdreg s23  }
0xa: {  	[dreg:$0xa] =	wrdreg s8;
	s6 =	sor.u32 s5, s6  }
0xb: {  	s25 =	rddreg [dreg:$0x5];
	s7 =	sshll.u32 s6, $0x4;
	s22 =	sshll.u32 s6, $0xB  }
0xc: {  	s4 =	sadd.s32 s4, s7;
	[dreg:$0x6] =	wrdreg s22  }
0xd: {  	s3 =	sadd.s32 s3, s7;
	[dreg:$0x8] =	wrdreg s4  }
0xe: {  	s24 =	sshll.u32 s1, $0x6;
	[dreg:$0x4] =	wrdreg s3  }
0xf: {  	s3 =	sor.u32 $0x1C01, s24;
	s26 =	rddreg [dreg:$0x4]  }
0x10: {  	s4 =	simm.s32 $0x80;
	[dreg:$0x9] =	wrdreg s3;
	s3 =	simm.s32 $0x1  }
0x11: {  	[tilespmem:s2], [sflag:$0x1] =	stream.strided.gather [hbm4b:s26+s4], $0x800, s25, s4, $0x38;
	[tilespmem:$0x800] =	vst v63  }
0x12: {  	_ =	swait.ge [sflag:s3], $0x800  }
0x13: {  	[sflag:s3] =	ssyncset.done $0x0  }
0x14: {  	[sflag:s3] =	ssyncadd.s32 $0xFFFFF800  }
0x15: {  	v0 =	vld [tilespmem:$0x0]  }
0x16: {  	v1 =	vld [tilespmem:$0x10]  }
0x17: {  	v2 =	vlaneseq.u32  }
0x18: {  	v63 =	vmul.u32 $0xFFFFFFFF, v2;
	v14 =	vld [tilespmem:$0x20];
	_ =	sdelay $0x1  }
0x19: {  	v5 =	vadd.s32 $0x7FF, v63;
	v3 =	vld [tilespmem:$0x30]  }
0x1a: {  	v6 =	vadd.s32 $0x7EF, v63;
	v0 =	vshll.u32 v0, $0xB;
	v1 =	vshll.u32 v1, $0xB  }
0x1b: {  	v4 =	vld [tilespmem:$0x40];
	v0 =	vor.u32 v5, v0;
	v1 =	vor.u32 v6, v1  }
0x1c: {  	v15 =	vadd.s32 $0x7DF, v63;
	v2 =	vshll.u32 v14, $0xB;
	vm0 =	vgt.s32 v0, v1  }
0x1d: {  	v16 =	vld [tilespmem:$0x50];
	v17 =	vor.u32 v15, v2;
	v0 =	vsel vm0, v0, v1  }
0x1e: {  	v18 =	vadd.s32 $0x7CF, v63;
	v19 =	vshll.u32 v3, $0xB;
	vm0 =	vgt.s32 v0, v17  }
0x1f: {  	v20 =	vld [tilespmem:$0x60];
	v21 =	vor.u32 v18, v19;
	v0 =	vsel vm0, v0, v17  }
0x20: {  	v22 =	vadd.s32 $0x7BF, v63;
	v23 =	vshll.u32 v4, $0xB;
	vm0 =	vgt.s32 v0, v21  }
0x21: {  	v24 =	vld [tilespmem:$0x70];
	v25 =	vor.u32 v22, v23;
	v0 =	vsel vm0, v0, v21  }
0x22: {  	v26 =	vadd.s32 $0x7AF, v63;
	v27 =	vshll.u32 v16, $0xB;
	vm0 =	vgt.s32 v0, v25  }
0x23: {  	v28 =	vld [tilespmem:$0x80];
	v29 =	vor.u32 v26, v27;
	v0 =	vsel vm0, v0, v25  }
0x24: {  	v30 =	vadd.s32 $0x79F, v63;
	v31 =	vshll.u32 v20, $0xB;
	vm0 =	vgt.s32 v0, v29  }
0x25: {  	v32 =	vld [tilespmem:$0x90];
	v33 =	vor.u32 v30, v31;
	v0 =	vsel vm0, v0, v29  }
0x26: {  	v34 =	vadd.s32 $0x78F, v63;
	v35 =	vshll.u32 v24, $0xB;
	vm0 =	vgt.s32 v0, v33  }
0x27: {  	v36 =	vld [tilespmem:$0xA0];
	v37 =	vor.u32 v34, v35;
	v0 =	vsel vm0, v0, v33  }
0x28: {  	v38 =	vadd.s32 $0x77F, v63;
	v39 =	vshll.u32 v28, $0xB;
	vm0 =	vgt.s32 v0, v37  }
0x29: {  	v40 =	vld [tilespmem:$0xB0];
	v41 =	vor.u32 v38, v39;
	v0 =	vsel vm0, v0, v37  }
0x2a: {  	v42 =	vadd.s32 $0x76F, v63;
	v43 =	vshll.u32 v32, $0xB;
	vm0 =	vgt.s32 v0, v41  }
0x2b: {  	v44 =	vld [tilespmem:$0xC0];
	v45 =	vor.u32 v42, v43;
	v0 =	vsel vm0, v0, v41  }
0x2c: {  	v46 =	vadd.s32 $0x75F, v63;
	v47 =	vshll.u32 v36, $0xB;
	vm0 =	vgt.s32 v0, v45  }
0x2d: {  	v48 =	vld [tilespmem:$0xD0];
	v49 =	vor.u32 v46, v47;
	v0 =	vsel vm0, v0, v45  }
0x2e: {  	v50 =	vadd.s32 $0x74F, v63;
	v51 =	vshll.u32 v40, $0xB;
	vm0 =	vgt.s32 v0, v49  }
0x2f: {  	v52 =	vld [tilespmem:$0xE0];
	v53 =	vor.u32 v50, v51;
	v0 =	vsel vm0, v0, v49  }
0x30: {  	v54 =	vadd.s32 $0x73F, v63;
	v55 =	vshll.u32 v44, $0xB;
	vm0 =	vgt.s32 v0, v53  }
0x31: {  	v56 =	vld [tilespmem:$0xF0];
	v57 =	vor.u32 v54, v55;
	v0 =	vsel vm0, v0, v53  }
0x32: {  	v58 =	vadd.s32 $0x72F, v63;
	v59 =	vshll.u32 v48, $0xB;
	vm0 =	vgt.s32 v0, v57  }
0x33: {  	v60 =	vld [tilespmem:$0x100];
	v61 =	vor.u32 v58, v59;
	v0 =	vsel vm0, v0, v57  }
0x34: {  	v62 =	vadd.s32 $0x71F, v63;
	v9 =	vshll.u32 v52, $0xB;
	vm0 =	vgt.s32 v0, v61  }
0x35: {  	v10 =	vld [tilespmem:$0x110];
	v11 =	vor.u32 v62, v9;
	v0 =	vsel vm0, v0, v61  }
0x36: {  	v12 =	vadd.s32 $0x70F, v63;
	v13 =	vshll.u32 v56, $0xB;
	vm0 =	vgt.s32 v0, v11  }
0x37: {  	[tilespmem:$0x1F820] =	vst v15;
	v14 =	vld [tilespmem:$0x120];
	v15 =	vor.u32 v12, v13;
	v0 =	vsel vm0, v0, v11  }
0x38: {  	v16 =	vadd.s32 $0x6FF, v63;
	v17 =	vshll.u32 v60, $0xB;
	vm0 =	vgt.s32 v0, v15  }
0x39: {  	[tilespmem:$0x1F830] =	vst v18;
	v18 =	vld [tilespmem:$0x130];
	v19 =	vor.u32 v16, v17;
	v0 =	vsel vm0, v0, v15  }
0x3a: {  	v20 =	vadd.s32 $0x6EF, v63;
	v21 =	vshll.u32 v10, $0xB;
	vm0 =	vgt.s32 v0, v19  }
0x3b: {  	[tilespmem:$0x1F840] =	vst v22;
	v22 =	vld [tilespmem:$0x140];
	v23 =	vor.u32 v20, v21;
	v0 =	vsel vm0, v0, v19  }
0x3c: {  	v24 =	vadd.s32 $0x6DF, v63;
	v25 =	vshll.u32 v14, $0xB;
	vm0 =	vgt.s32 v0, v23  }
0x3d: {  	[tilespmem:$0x1F850] =	vst v26;
	v26 =	vld [tilespmem:$0x150];
	v27 =	vor.u32 v24, v25;
	v0 =	vsel vm0, v0, v23  }
0x3e: {  	v28 =	vadd.s32 $0x6CF, v63;
	v29 =	vshll.u32 v18, $0xB;
	vm0 =	vgt.s32 v0, v27  }
0x3f: {  	[tilespmem:$0x1F860] =	vst v30;
	v30 =	vld [tilespmem:$0x160];
	v31 =	vor.u32 v28, v29;
	v0 =	vsel vm0, v0, v27  }
0x40: {  	v32 =	vadd.s32 $0x6BF, v63;
	v33 =	vshll.u32 v22, $0xB;
	vm0 =	vgt.s32 v0, v31  }
0x41: {  	[tilespmem:$0x1F870] =	vst v34;
	v34 =	vld [tilespmem:$0x170];
	v35 =	vor.u32 v32, v33;
	v0 =	vsel vm0, v0, v31  }
0x42: {  	v36 =	vadd.s32 $0x6AF, v63;
	v37 =	vshll.u32 v26, $0xB;
	vm0 =	vgt.s32 v0, v35  }
0x43: {  	[tilespmem:$0x1F880] =	vst v38;
	v38 =	vld [tilespmem:$0x180];
	v39 =	vor.u32 v36, v37;
	v0 =	vsel vm0, v0, v35  }
0x44: {  	v40 =	vadd.s32 $0x69F, v63;
	v41 =	vshll.u32 v30, $0xB;
	vm0 =	vgt.s32 v0, v39  }
0x45: {  	[tilespmem:$0x1F890] =	vst v42;
	v42 =	vld [tilespmem:$0x190];
	v43 =	vor.u32 v40, v41;
	v0 =	vsel vm0, v0, v39  }
0x46: {  	v44 =	vadd.s32 $0x68F, v63;
	v45 =	vshll.u32 v34, $0xB;
	vm0 =	vgt.s32 v0, v43  }
0x47: {  	[tilespmem:$0x1F8A0] =	vst v46;
	v46 =	vld [tilespmem:$0x1A0];
	v47 =	vor.u32 v44, v45;
	v0 =	vsel vm0, v0, v43  }
0x48: {  	v48 =	vadd.s32 $0x67F, v63;
	v49 =	vshll.u32 v38, $0xB;
	vm0 =	vgt.s32 v0, v47  }
0x49: {  	[tilespmem:$0x1F8B0] =	vst v50;
	v50 =	vld [tilespmem:$0x1B0];
	v51 =	vor.u32 v48, v49;
	v0 =	vsel vm0, v0, v47  }
0x4a: {  	v52 =	vadd.s32 $0x66F, v63;
	v53 =	vshll.u32 v42, $0xB;
	vm0 =	vgt.s32 v0, v51  }
0x4b: {  	[tilespmem:$0x1F8C0] =	vst v54;
	v54 =	vld [tilespmem:$0x1C0];
	v55 =	vor.u32 v52, v53;
	v0 =	vsel vm0, v0, v51  }
0x4c: {  	v56 =	vadd.s32 $0x65F, v63;
	v57 =	vshll.u32 v46, $0xB;
	vm0 =	vgt.s32 v0, v55  }
0x4d: {  	[tilespmem:$0x1F8D0] =	vst v58;
	v58 =	vld [tilespmem:$0x1D0];
	v59 =	vor.u32 v56, v57;
	v0 =	vsel vm0, v0, v55  }
0x4e: {  	v60 =	vadd.s32 $0x64F, v63;
	v61 =	vshll.u32 v50, $0xB;
	vm0 =	vgt.s32 v0, v59  }
0x4f: {  	[tilespmem:$0x1F8E0] =	vst v62;
	v62 =	vld [tilespmem:$0x1E0];
	v9 =	vor.u32 v60, v61;
	v0 =	vsel vm0, v0, v59  }
0x50: {  	v10 =	vadd.s32 $0x63F, v63;
	v11 =	vshll.u32 v54, $0xB;
	vm0 =	vgt.s32 v0, v9  }
0x51: {  	[tilespmem:$0x1F8F0] =	vst v12;
	v12 =	vld [tilespmem:$0x1F0];
	v13 =	vor.u32 v10, v11;
	v0 =	vsel vm0, v0, v9  }
0x52: {  	v14 =	vadd.s32 $0x62F, v63;
	v15 =	vshll.u32 v58, $0xB;
	vm0 =	vgt.s32 v0, v13  }
0x53: {  	[tilespmem:$0x1F900] =	vst v16;
	v16 =	vld [tilespmem:$0x200];
	v17 =	vor.u32 v14, v15;
	v0 =	vsel vm0, v0, v13  }
0x54: {  	v18 =	vadd.s32 $0x61F, v63;
	v19 =	vshll.u32 v62, $0xB;
	vm0 =	vgt.s32 v0, v17  }
0x55: {  	[tilespmem:$0x1F910] =	vst v20;
	v20 =	vld [tilespmem:$0x210];
	v21 =	vor.u32 v18, v19;
	v0 =	vsel vm0, v0, v17  }
0x56: {  	v22 =	vadd.s32 $0x60F, v63;
	v23 =	vshll.u32 v12, $0xB;
	vm0 =	vgt.s32 v0, v21  }
0x57: {  	[tilespmem:$0x1F920] =	vst v24;
	v24 =	vld [tilespmem:$0x220];
	v25 =	vor.u32 v22, v23;
	v0 =	vsel vm0, v0, v21  }
0x58: {  	v26 =	vadd.s32 $0x5FF, v63;
	v27 =	vshll.u32 v16, $0xB;
	vm0 =	vgt.s32 v0, v25  }
0x59: {  	[tilespmem:$0x1F930] =	vst v28;
	v28 =	vld [tilespmem:$0x230];
	v29 =	vor.u32 v26, v27;
	v0 =	vsel vm0, v0, v25  }
0x5a: {  	v30 =	vadd.s32 $0x5EF, v63;
	v31 =	vshll.u32 v20, $0xB;
	vm0 =	vgt.s32 v0, v29  }
0x5b: {  	[tilespmem:$0x1F940] =	vst v32;
	v32 =	vld [tilespmem:$0x240];
	v33 =	vor.u32 v30, v31;
	v0 =	vsel vm0, v0, v29  }
0x5c: {  	v34 =	vadd.s32 $0x5DF, v63;
	v35 =	vshll.u32 v24, $0xB;
	vm0 =	vgt.s32 v0, v33  }
0x5d: {  	[tilespmem:$0x1F950] =	vst v36;
	v36 =	vld [tilespmem:$0x250];
	v37 =	vor.u32 v34, v35;
	v0 =	vsel vm0, v0, v33  }
0x5e: {  	v38 =	vadd.s32 $0x5CF, v63;
	v39 =	vshll.u32 v28, $0xB;
	vm0 =	vgt.s32 v0, v37  }
0x5f: {  	[tilespmem:$0x1F960] =	vst v40;
	v40 =	vld [tilespmem:$0x260];
	v41 =	vor.u32 v38, v39;
	v0 =	vsel vm0, v0, v37  }
0x60: {  	v42 =	vadd.s32 $0x5BF, v63;
	v43 =	vshll.u32 v32, $0xB;
	vm0 =	vgt.s32 v0, v41  }
0x61: {  	[tilespmem:$0x1F970] =	vst v44;
	v44 =	vld [tilespmem:$0x270];
	v45 =	vor.u32 v42, v43;
	v0 =	vsel vm0, v0, v41  }
0x62: {  	v46 =	vadd.s32 $0x5AF, v63;
	v47 =	vshll.u32 v36, $0xB;
	vm0 =	vgt.s32 v0, v45  }
0x63: {  	[tilespmem:$0x1F980] =	vst v48;
	v48 =	vld [tilespmem:$0x280];
	v49 =	vor.u32 v46, v47;
	v0 =	vsel vm0, v0, v45  }
0x64: {  	v50 =	vadd.s32 $0x59F, v63;
	v51 =	vshll.u32 v40, $0xB;
	vm0 =	vgt.s32 v0, v49  }
0x65: {  	[tilespmem:$0x1F990] =	vst v52;
	v52 =	vld [tilespmem:$0x290];
	v53 =	vor.u32 v50, v51;
	v0 =	vsel vm0, v0, v49  }
0x66: {  	v54 =	vadd.s32 $0x58F, v63;
	v55 =	vshll.u32 v44, $0xB;
	vm0 =	vgt.s32 v0, v53  }
0x67: {  	[tilespmem:$0x1F9A0] =	vst v56;
	v56 =	vld [tilespmem:$0x2A0];
	v57 =	vor.u32 v54, v55;
	v0 =	vsel vm0, v0, v53  }
0x68: {  	v58 =	vadd.s32 $0x57F, v63;
	v59 =	vshll.u32 v48, $0xB;
	vm0 =	vgt.s32 v0, v57  }
0x69: {  	[tilespmem:$0x1F9B0] =	vst v60;
	v60 =	vld [tilespmem:$0x2B0];
	v61 =	vor.u32 v58, v59;
	v0 =	vsel vm0, v0, v57  }
0x6a: {  	v8 =	vshll.u32 v52, $0xB;
	v62 =	vadd.s32 $0x56F, v63;
	vm0 =	vgt.s32 v0, v61  }
0x6b: {  	[tilespmem:$0x1F9C0] =	vst v10;
	v10 =	vor.u32 v62, v8;
	v9 =	vld [tilespmem:$0x2C0];
	v0 =	vsel vm0, v0, v61  }
0x6c: {  	v11 =	vadd.s32 $0x55F, v63;
	v12 =	vshll.u32 v56, $0xB;
	vm0 =	vgt.s32 v0, v10  }
0x6d: {  	[tilespmem:$0x1F9D0] =	vst v14;
	v14 =	vor.u32 v11, v12;
	v13 =	vld [tilespmem:$0x2D0];
	v0 =	vsel vm0, v0, v10  }
0x6e: {  	v15 =	vadd.s32 $0x54F, v63;
	v16 =	vshll.u32 v60, $0xB;
	vm0 =	vgt.s32 v0, v14  }
0x6f: {  	[tilespmem:$0x1F9E0] =	vst v18;
	v18 =	vor.u32 v15, v16;
	v17 =	vld [tilespmem:$0x2E0];
	v0 =	vsel vm0, v0, v14  }
0x70: {  	v19 =	vadd.s32 $0x53F, v63;
	v20 =	vshll.u32 v9, $0xB;
	vm0 =	vgt.s32 v0, v18  }
0x71: {  	[tilespmem:$0x1F9F0] =	vst v22;
	v21 =	vld [tilespmem:$0x2F0];
	v22 =	vor.u32 v19, v20;
	v0 =	vsel vm0, v0, v18  }
0x72: {  	v23 =	vadd.s32 $0x52F, v63;
	v24 =	vshll.u32 v13, $0xB;
	vm0 =	vgt.s32 v0, v22  }
0x73: {  	[tilespmem:$0x1FA00] =	vst v26;
	v25 =	vld [tilespmem:$0x300];
	v26 =	vor.u32 v23, v24;
	v0 =	vsel vm0, v0, v22  }
0x74: {  	v27 =	vadd.s32 $0x51F, v63;
	v28 =	vshll.u32 v17, $0xB;
	vm0 =	vgt.s32 v0, v26  }
0x75: {  	[tilespmem:$0x1FA10] =	vst v30;
	v29 =	vld [tilespmem:$0x310];
	v30 =	vor.u32 v27, v28;
	v0 =	vsel vm0, v0, v26  }
0x76: {  	v31 =	vadd.s32 $0x50F, v63;
	v32 =	vshll.u32 v21, $0xB;
	vm0 =	vgt.s32 v0, v30  }
0x77: {  	[tilespmem:$0x1FA20] =	vst v34;
	v33 =	vld [tilespmem:$0x320];
	v34 =	vor.u32 v31, v32;
	v0 =	vsel vm0, v0, v30  }
0x78: {  	v35 =	vadd.s32 $0x4FF, v63;
	v36 =	vshll.u32 v25, $0xB;
	vm0 =	vgt.s32 v0, v34  }
0x79: {  	[tilespmem:$0x1FA30] =	vst v38;
	v37 =	vld [tilespmem:$0x330];
	v38 =	vor.u32 v35, v36;
	v0 =	vsel vm0, v0, v34  }
0x7a: {  	v39 =	vadd.s32 $0x4EF, v63;
	v40 =	vshll.u32 v29, $0xB;
	vm0 =	vgt.s32 v0, v38  }
0x7b: {  	[tilespmem:$0x1FA40] =	vst v42;
	v41 =	vld [tilespmem:$0x340];
	v42 =	vor.u32 v39, v40;
	v0 =	vsel vm0, v0, v38  }
0x7c: {  	v43 =	vadd.s32 $0x4DF, v63;
	v44 =	vshll.u32 v33, $0xB;
	vm0 =	vgt.s32 v0, v42  }
0x7d: {  	[tilespmem:$0x1FA50] =	vst v46;
	v45 =	vld [tilespmem:$0x350];
	v46 =	vor.u32 v43, v44;
	v0 =	vsel vm0, v0, v42  }
0x7e: {  	v47 =	vadd.s32 $0x4CF, v63;
	v48 =	vshll.u32 v37, $0xB;
	vm0 =	vgt.s32 v0, v46  }
0x7f: {  	[tilespmem:$0x1FA60] =	vst v50;
	v49 =	vld [tilespmem:$0x360];
	v50 =	vor.u32 v47, v48;
	v0 =	vsel vm0, v0, v46  }
0x80: {  	v51 =	vadd.s32 $0x4BF, v63;
	v52 =	vshll.u32 v41, $0xB;
	vm0 =	vgt.s32 v0, v50  }
0x81: {  	[tilespmem:$0x1FA70] =	vst v54;
	v53 =	vld [tilespmem:$0x370];
	v54 =	vor.u32 v51, v52;
	v0 =	vsel vm0, v0, v50  }
0x82: {  	v55 =	vadd.s32 $0x4AF, v63;
	v56 =	vshll.u32 v45, $0xB;
	vm0 =	vgt.s32 v0, v54  }
0x83: {  	[tilespmem:$0x1FA80] =	vst v58;
	v57 =	vld [tilespmem:$0x380];
	v58 =	vor.u32 v55, v56;
	v0 =	vsel vm0, v0, v54  }
0x84: {  	v59 =	vadd.s32 $0x49F, v63;
	v60 =	vshll.u32 v49, $0xB;
	vm0 =	vgt.s32 v0, v58  }
0x85: {  	[tilespmem:$0x1FA90] =	vst v62;
	v61 =	vld [tilespmem:$0x390];
	v62 =	vor.u32 v59, v60;
	v0 =	vsel vm0, v0, v58  }
0x86: {  	v9 =	vadd.s32 $0x48F, v63;
	v10 =	vshll.u32 v53, $0xB;
	vm0 =	vgt.s32 v0, v62  }
0x87: {  	[tilespmem:$0x1FAA0] =	vst v11;
	v11 =	vld [tilespmem:$0x3A0];
	v12 =	vor.u32 v9, v10;
	v0 =	vsel vm0, v0, v62  }
0x88: {  	v13 =	vadd.s32 $0x47F, v63;
	v14 =	vshll.u32 v57, $0xB;
	vm0 =	vgt.s32 v0, v12  }
0x89: {  	[tilespmem:$0x1FAB0] =	vst v15;
	v15 =	vld [tilespmem:$0x3B0];
	v16 =	vor.u32 v13, v14;
	v0 =	vsel vm0, v0, v12  }
0x8a: {  	v17 =	vadd.s32 $0x46F, v63;
	v18 =	vshll.u32 v61, $0xB;
	vm0 =	vgt.s32 v0, v16  }
0x8b: {  	[tilespmem:$0x1FAC0] =	vst v19;
	v19 =	vld [tilespmem:$0x3C0];
	v2 =	vor.u32 v17, v18;
	v0 =	vsel vm0, v0, v16  }
0x8c: {  	v20 =	vshll.u32 v11, $0xB;
	v21 =	vadd.s32 $0x45F, v63;
	vm0 =	vgt.s32 v0, v2  }
0x8d: {  	[tilespmem:$0x1FAD0] =	vst v23;
	v23 =	vld [tilespmem:$0x3D0];
	v22 =	vor.u32 v21, v20;
	v0 =	vsel vm0, v0, v2  }
0x8e: {  	v24 =	vshll.u32 v15, $0xB;
	v25 =	vadd.s32 $0x44F, v63;
	vm0 =	vgt.s32 v0, v22  }
0x8f: {  	[tilespmem:$0x1FAE0] =	vst v27;
	v27 =	vld [tilespmem:$0x3E0];
	v26 =	vor.u32 v25, v24;
	v0 =	vsel vm0, v0, v22  }
0x90: {  	v28 =	vadd.s32 $0x43F, v63;
	v1 =	vshll.u32 v19, $0xB;
	vm0 =	vgt.s32 v0, v26  }
0x91: {  	v1 =	vor.u32 v28, v1;
	v29 =	vld [tilespmem:$0x3F0];
	v0 =	vsel vm0, v0, v26  }
0x92: {  	v3 =	vshll.u32 v23, $0xB;
	v30 =	vadd.s32 $0x42F, v63;
	vm0 =	vgt.s32 v0, v1  }
0x93: {  	[tilespmem:$0x1FAF0] =	vst v31;
	v32 =	vld [tilespmem:$0x400];
	v31 =	vor.u32 v30, v3;
	v0 =	vsel vm0, v0, v1  }
0x94: {  	v4 =	vshll.u32 v27, $0xB;
	v33 =	vadd.s32 $0x41F, v63;
	vm0 =	vgt.s32 v0, v31  }
0x95: {  	[tilespmem:$0x1FB00] =	vst v35;
	v35 =	vld [tilespmem:$0x410];
	v34 =	vor.u32 v33, v4;
	v0 =	vsel vm0, v0, v31  }
0x96: {  	v36 =	vadd.s32 $0x40F, v63;
	v2 =	vshll.u32 v29, $0xB;
	vm0 =	vgt.s32 v0, v34  }
0x97: {  	v38 =	vld [tilespmem:$0x420];
	v37 =	vor.u32 v36, v2;
	v0 =	vsel vm0, v0, v34  }
0x98: {  	[tilespmem:$0x1FB10] =	vst v39;
	v39 =	vadd.s32 $0x3FF, v63;
	v3 =	vshll.u32 v32, $0xB;
	vm0 =	vgt.s32 v0, v37  }
0x99: {  	v41 =	vld [tilespmem:$0x430];
	v40 =	vor.u32 v39, v3;
	v0 =	vsel vm0, v0, v37  }
0x9a: {  	v4 =	vshll.u32 v35, $0xB;
	v42 =	vadd.s32 $0x3EF, v63;
	vm0 =	vgt.s32 v0, v40  }
0x9b: {  	[tilespmem:$0x1FB20] =	vst v43;
	v44 =	vld [tilespmem:$0x440];
	v43 =	vor.u32 v42, v4;
	v0 =	vsel vm0, v0, v40  }
0x9c: {  	v45 =	vadd.s32 $0x3DF, v63;
	v2 =	vshll.u32 v38, $0xB;
	vm0 =	vgt.s32 v0, v43  }
0x9d: {  	[tilespmem:$0x1FB30] =	vst v47;
	v47 =	vld [tilespmem:$0x450];
	v46 =	vor.u32 v45, v2;
	v0 =	vsel vm0, v0, v43  }
0x9e: {  	v48 =	vadd.s32 $0x3CF, v63;
	v3 =	vshll.u32 v41, $0xB;
	vm0 =	vgt.s32 v0, v46  }
0x9f: {  	v49 =	vor.u32 v48, v3;
	v50 =	vld [tilespmem:$0x460];
	v0 =	vsel vm0, v0, v46  }
0xa0: {  	[tilespmem:$0x1FB40] =	vst v51;
	v51 =	vadd.s32 $0x3BF, v63;
	v4 =	vshll.u32 v44, $0xB;
	vm0 =	vgt.s32 v0, v49  }
0xa1: {  	v53 =	vld [tilespmem:$0x470];
	v52 =	vor.u32 v51, v4;
	v0 =	vsel vm0, v0, v49  }
0xa2: {  	v54 =	vadd.s32 $0x3AF, v63;
	v2 =	vshll.u32 v47, $0xB;
	vm0 =	vgt.s32 v0, v52  }
0xa3: {  	[tilespmem:$0x1FB50] =	vst v55;
	v56 =	vld [tilespmem:$0x480];
	v55 =	vor.u32 v54, v2;
	v0 =	vsel vm0, v0, v52  }
0xa4: {  	v57 =	vadd.s32 $0x39F, v63;
	v3 =	vshll.u32 v50, $0xB;
	vm0 =	vgt.s32 v0, v55  }
0xa5: {  	[tilespmem:$0x1FB60] =	vst v59;
	v59 =	vld [tilespmem:$0x490];
	v58 =	vor.u32 v57, v3;
	v0 =	vsel vm0, v0, v55  }
0xa6: {  	v60 =	vadd.s32 $0x38F, v63;
	v4 =	vshll.u32 v53, $0xB;
	vm0 =	vgt.s32 v0, v58  }
0xa7: {  	v61 =	vor.u32 v60, v4;
	v62 =	vld [tilespmem:$0x4A0];
	v0 =	vsel vm0, v0, v58  }
0xa8: {  	v8 =	vadd.s32 $0x37F, v63;
	v2 =	vshll.u32 v56, $0xB;
	vm0 =	vgt.s32 v0, v61  }
0xa9: {  	[tilespmem:$0x1FB70] =	vst v9;
	v10 =	vld [tilespmem:$0x4B0];
	v9 =	vor.u32 v8, v2;
	v0 =	vsel vm0, v0, v61  }
0xaa: {  	v11 =	vadd.s32 $0x36F, v63;
	v3 =	vshll.u32 v59, $0xB;
	vm0 =	vgt.s32 v0, v9  }
0xab: {  	[tilespmem:$0x1FB80] =	vst v13;
	v13 =	vld [tilespmem:$0x4C0];
	v12 =	vor.u32 v11, v3;
	v0 =	vsel vm0, v0, v9  }
0xac: {  	v14 =	vadd.s32 $0x35F, v63;
	v4 =	vshll.u32 v62, $0xB;
	vm0 =	vgt.s32 v0, v12  }
0xad: {  	v16 =	vld [tilespmem:$0x4D0];
	v15 =	vor.u32 v14, v4;
	v0 =	vsel vm0, v0, v12  }
0xae: {  	[tilespmem:$0x1FB90] =	vst v17;
	v17 =	vadd.s32 $0x34F, v63;
	v2 =	vshll.u32 v10, $0xB;
	vm0 =	vgt.s32 v0, v15  }
0xaf: {  	v19 =	vld [tilespmem:$0x4E0];
	v18 =	vor.u32 v17, v2;
	v0 =	vsel vm0, v0, v15  }
0xb0: {  	v20 =	vadd.s32 $0x33F, v63;
	v3 =	vshll.u32 v13, $0xB;
	vm0 =	vgt.s32 v0, v18  }
0xb1: {  	[tilespmem:$0x1FBA0] =	vst v21;
	v21 =	vor.u32 v20, v3;
	v22 =	vld [tilespmem:$0x4F0];
	v0 =	vsel vm0, v0, v18  }
0xb2: {  	v23 =	vadd.s32 $0x32F, v63;
	v4 =	vshll.u32 v16, $0xB;
	vm0 =	vgt.s32 v0, v21  }
0xb3: {  	[tilespmem:$0x1FBB0] =	vst v25;
	v25 =	vld [tilespmem:$0x500];
	v24 =	vor.u32 v23, v4;
	v0 =	vsel vm0, v0, v21  }
0xb4: {  	v26 =	vadd.s32 $0x31F, v63;
	v2 =	vshll.u32 v19, $0xB;
	vm0 =	vgt.s32 v0, v24  }
0xb5: {  	[tilespmem:$0x1FBC0] =	vst v28;
	v28 =	vld [tilespmem:$0x510];
	v27 =	vor.u32 v26, v2;
	v0 =	vsel vm0, v0, v24  }
0xb6: {  	v29 =	vadd.s32 $0x30F, v63;
	v3 =	vshll.u32 v22, $0xB;
	vm0 =	vgt.s32 v0, v27  }
0xb7: {  	[tilespmem:$0x1FBD0] =	vst v30;
	v30 =	vor.u32 v29, v3;
	v31 =	vld [tilespmem:$0x520];
	v0 =	vsel vm0, v0, v27  }
0xb8: {  	v32 =	vadd.s32 $0x2FF, v63;
	v4 =	vshll.u32 v25, $0xB;
	vm0 =	vgt.s32 v0, v30  }
0xb9: {  	[tilespmem:$0x1FBE0] =	vst v33;
	v33 =	vor.u32 v32, v4;
	v34 =	vld [tilespmem:$0x530];
	v0 =	vsel vm0, v0, v30  }
0xba: {  	v35 =	vadd.s32 $0x2EF, v63;
	v2 =	vshll.u32 v28, $0xB;
	vm0 =	vgt.s32 v0, v33  }
0xbb: {  	[tilespmem:$0x1FBF0] =	vst v36;
	v36 =	vor.u32 v35, v2;
	v37 =	vld [tilespmem:$0x540];
	v0 =	vsel vm0, v0, v33  }
0xbc: {  	v38 =	vadd.s32 $0x2DF, v63;
	v3 =	vshll.u32 v31, $0xB;
	vm0 =	vgt.s32 v0, v36  }
0xbd: {  	[tilespmem:$0x1FC00] =	vst v39;
	v39 =	vor.u32 v38, v3;
	v40 =	vld [tilespmem:$0x550];
	v0 =	vsel vm0, v0, v36  }
0xbe: {  	v41 =	vadd.s32 $0x2CF, v63;
	v4 =	vshll.u32 v34, $0xB;
	vm0 =	vgt.s32 v0, v39  }
0xbf: {  	[tilespmem:$0x1FC10] =	vst v42;
	v42 =	vor.u32 v41, v4;
	v43 =	vld [tilespmem:$0x560];
	v0 =	vsel vm0, v0, v39  }
0xc0: {  	v44 =	vadd.s32 $0x2BF, v63;
	v2 =	vshll.u32 v37, $0xB;
	vm0 =	vgt.s32 v0, v42  }
0xc1: {  	[tilespmem:$0x1FC20] =	vst v45;
	v45 =	vor.u32 v44, v2;
	v46 =	vld [tilespmem:$0x570];
	v0 =	vsel vm0, v0, v42  }
0xc2: {  	v47 =	vadd.s32 $0x2AF, v63;
	v3 =	vshll.u32 v40, $0xB;
	vm0 =	vgt.s32 v0, v45  }
0xc3: {  	[tilespmem:$0x1FC30] =	vst v48;
	v48 =	vor.u32 v47, v3;
	v49 =	vld [tilespmem:$0x580];
	v0 =	vsel vm0, v0, v45  }
0xc4: {  	v50 =	vadd.s32 $0x29F, v63;
	v4 =	vshll.u32 v43, $0xB;
	vm0 =	vgt.s32 v0, v48  }
0xc5: {  	[tilespmem:$0x1FC40] =	vst v51;
	v51 =	vor.u32 v50, v4;
	v52 =	vld [tilespmem:$0x590];
	v0 =	vsel vm0, v0, v48  }
0xc6: {  	v53 =	vadd.s32 $0x28F, v63;
	v2 =	vshll.u32 v46, $0xB;
	vm0 =	vgt.s32 v0, v51  }
0xc7: {  	[tilespmem:$0x1FC50] =	vst v54;
	v54 =	vor.u32 v53, v2;
	v55 =	vld [tilespmem:$0x5A0];
	v0 =	vsel vm0, v0, v51  }
0xc8: {  	v56 =	vadd.s32 $0x27F, v63;
	v3 =	vshll.u32 v49, $0xB;
	vm0 =	vgt.s32 v0, v54  }
0xc9: {  	[tilespmem:$0x1FC60] =	vst v57;
	v57 =	vor.u32 v56, v3;
	v58 =	vld [tilespmem:$0x5B0];
	v0 =	vsel vm0, v0, v54  }
0xca: {  	v59 =	vadd.s32 $0x26F, v63;
	v4 =	vshll.u32 v52, $0xB;
	vm0 =	vgt.s32 v0, v57  }
0xcb: {  	[tilespmem:$0x1FC70] =	vst v60;
	v60 =	vor.u32 v59, v4;
	v61 =	vld [tilespmem:$0x5C0];
	v0 =	vsel vm0, v0, v57  }
0xcc: {  	v62 =	vadd.s32 $0x25F, v63;
	v2 =	vshll.u32 v55, $0xB;
	vm0 =	vgt.s32 v0, v60  }
0xcd: {  	[tilespmem:$0x1FC80] =	vst v8;
	v8 =	vor.u32 v62, v2;
	v9 =	vld [tilespmem:$0x5D0];
	v0 =	vsel vm0, v0, v60  }
0xce: {  	v10 =	vadd.s32 $0x24F, v63;
	v3 =	vshll.u32 v58, $0xB;
	vm0 =	vgt.s32 v0, v8  }
0xcf: {  	[tilespmem:$0x1FC90] =	vst v11;
	v11 =	vor.u32 v10, v3;
	v12 =	vld [tilespmem:$0x5E0];
	v0 =	vsel vm0, v0, v8  }
0xd0: {  	v13 =	vadd.s32 $0x23F, v63;
	v4 =	vshll.u32 v61, $0xB;
	vm0 =	vgt.s32 v0, v11  }
0xd1: {  	[tilespmem:$0x1FCA0] =	vst v14;
	v14 =	vor.u32 v13, v4;
	v15 =	vld [tilespmem:$0x5F0];
	v0 =	vsel vm0, v0, v11  }
0xd2: {  	v16 =	vadd.s32 $0x22F, v63;
	v2 =	vshll.u32 v9, $0xB;
	vm0 =	vgt.s32 v0, v14  }
0xd3: {  	[tilespmem:$0x1FCB0] =	vst v17;
	v17 =	vor.u32 v16, v2;
	v18 =	vld [tilespmem:$0x600];
	v0 =	vsel vm0, v0, v14  }
0xd4: {  	v19 =	vadd.s32 $0x21F, v63;
	v3 =	vshll.u32 v12, $0xB;
	vm0 =	vgt.s32 v0, v17  }
0xd5: {  	[tilespmem:$0x1FCC0] =	vst v20;
	v20 =	vor.u32 v19, v3;
	v21 =	vld [tilespmem:$0x610];
	v0 =	vsel vm0, v0, v17  }
0xd6: {  	v22 =	vadd.s32 $0x20F, v63;
	v4 =	vshll.u32 v15, $0xB;
	vm0 =	vgt.s32 v0, v20  }
0xd7: {  	[tilespmem:$0x1FCD0] =	vst v23;
	v23 =	vor.u32 v22, v4;
	v24 =	vld [tilespmem:$0x620];
	v0 =	vsel vm0, v0, v20  }
0xd8: {  	v25 =	vadd.s32 $0x1FF, v63;
	v2 =	vshll.u32 v18, $0xB;
	vm0 =	vgt.s32 v0, v23  }
0xd9: {  	[tilespmem:$0x1FCE0] =	vst v26;
	v26 =	vor.u32 v25, v2;
	v27 =	vld [tilespmem:$0x630];
	v0 =	vsel vm0, v0, v23  }
0xda: {  	v28 =	vadd.s32 $0x1EF, v63;
	v3 =	vshll.u32 v21, $0xB;
	vm0 =	vgt.s32 v0, v26  }
0xdb: {  	[tilespmem:$0x1FCF0] =	vst v29;
	v29 =	vor.u32 v28, v3;
	v30 =	vld [tilespmem:$0x640];
	v0 =	vsel vm0, v0, v26  }
0xdc: {  	v31 =	vadd.s32 $0x1DF, v63;
	v4 =	vshll.u32 v24, $0xB;
	vm0 =	vgt.s32 v0, v29  }
0xdd: {  	[tilespmem:$0x1FD00] =	vst v32;
	v32 =	vor.u32 v31, v4;
	v33 =	vld [tilespmem:$0x650];
	v0 =	vsel vm0, v0, v29  }
0xde: {  	v34 =	vadd.s32 $0x1CF, v63;
	v2 =	vshll.u32 v27, $0xB;
	vm0 =	vgt.s32 v0, v32  }
0xdf: {  	[tilespmem:$0x1FD10] =	vst v35;
	v35 =	vor.u32 v34, v2;
	v36 =	vld [tilespmem:$0x660];
	v0 =	vsel vm0, v0, v32  }
0xe0: {  	v37 =	vadd.s32 $0x1BF, v63;
	v3 =	vshll.u32 v30, $0xB;
	vm0 =	vgt.s32 v0, v35  }
0xe1: {  	[tilespmem:$0x1FD20] =	vst v38;
	v38 =	vor.u32 v37, v3;
	v39 =	vld [tilespmem:$0x670];
	v0 =	vsel vm0, v0, v35  }
0xe2: {  	v40 =	vadd.s32 $0x1AF, v63;
	v4 =	vshll.u32 v33, $0xB;
	vm0 =	vgt.s32 v0, v38  }
0xe3: {  	[tilespmem:$0x1FD30] =	vst v41;
	v41 =	vor.u32 v40, v4;
	v42 =	vld [tilespmem:$0x680];
	v0 =	vsel vm0, v0, v38  }
0xe4: {  	v43 =	vadd.s32 $0x19F, v63;
	v2 =	vshll.u32 v36, $0xB;
	vm0 =	vgt.s32 v0, v41  }
0xe5: {  	[tilespmem:$0x1FD40] =	vst v44;
	v44 =	vor.u32 v43, v2;
	v45 =	vld [tilespmem:$0x690];
	v0 =	vsel vm0, v0, v41  }
0xe6: {  	v46 =	vadd.s32 $0x18F, v63;
	v3 =	vshll.u32 v39, $0xB;
	vm0 =	vgt.s32 v0, v44  }
0xe7: {  	[tilespmem:$0x1FD50] =	vst v47;
	v47 =	vor.u32 v46, v3;
	v48 =	vld [tilespmem:$0x6A0];
	v0 =	vsel vm0, v0, v44  }
0xe8: {  	v49 =	vadd.s32 $0x17F, v63;
	v4 =	vshll.u32 v42, $0xB;
	vm0 =	vgt.s32 v0, v47  }
0xe9: {  	[tilespmem:$0x1FD60] =	vst v50;
	v50 =	vor.u32 v49, v4;
	v51 =	vld [tilespmem:$0x6B0];
	v0 =	vsel vm0, v0, v47  }
0xea: {  	v52 =	vadd.s32 $0x16F, v63;
	v2 =	vshll.u32 v45, $0xB;
	vm0 =	vgt.s32 v0, v50  }
0xeb: {  	[tilespmem:$0x1FD70] =	vst v53;
	v53 =	vor.u32 v52, v2;
	v54 =	vld [tilespmem:$0x6C0];
	v0 =	vsel vm0, v0, v50  }
0xec: {  	v55 =	vadd.s32 $0x15F, v63;
	v3 =	vshll.u32 v48, $0xB;
	vm0 =	vgt.s32 v0, v53  }
0xed: {  	[tilespmem:$0x1FD80] =	vst v56;
	v56 =	vor.u32 v55, v3;
	v57 =	vld [tilespmem:$0x6D0];
	v0 =	vsel vm0, v0, v53  }
0xee: {  	v58 =	vadd.s32 $0x14F, v63;
	v4 =	vshll.u32 v51, $0xB;
	vm0 =	vgt.s32 v0, v56  }
0xef: {  	[tilespmem:$0x1FD90] =	vst v59;
	v59 =	vor.u32 v58, v4;
	v60 =	vld [tilespmem:$0x6E0];
	v0 =	vsel vm0, v0, v56  }
0xf0: {  	v61 =	vadd.s32 $0x13F, v63;
	v2 =	vshll.u32 v54, $0xB;
	vm0 =	vgt.s32 v0, v59  }
0xf1: {  	[tilespmem:$0x1FDA0] =	vst v62;
	v62 =	vor.u32 v61, v2;
	v8 =	vld [tilespmem:$0x6F0];
	v0 =	vsel vm0, v0, v59  }
0xf2: {  	v9 =	vadd.s32 $0x12F, v63;
	v3 =	vshll.u32 v57, $0xB;
	vm0 =	vgt.s32 v0, v62  }
0xf3: {  	[tilespmem:$0x1FDB0] =	vst v10;
	v10 =	vor.u32 v9, v3;
	v11 =	vld [tilespmem:$0x700];
	v0 =	vsel vm0, v0, v62  }
0xf4: {  	v12 =	vadd.s32 $0x11F, v63;
	v4 =	vshll.u32 v60, $0xB;
	vm0 =	vgt.s32 v0, v10  }
0xf5: {  	[tilespmem:$0x1FDC0] =	vst v13;
	v13 =	vor.u32 v12, v4;
	v14 =	vld [tilespmem:$0x710];
	v0 =	vsel vm0, v0, v10  }
0xf6: {  	v15 =	vadd.s32 $0x10F, v63;
	v2 =	vshll.u32 v8, $0xB;
	vm0 =	vgt.s32 v0, v13  }
0xf7: {  	[tilespmem:$0x1FDD0] =	vst v16;
	v16 =	vor.u32 v15, v2;
	v17 =	vld [tilespmem:$0x720];
	v0 =	vsel vm0, v0, v13  }
0xf8: {  	v18 =	vadd.s32 $0xFF, v63;
	v3 =	vshll.u32 v11, $0xB;
	vm0 =	vgt.s32 v0, v16  }
0xf9: {  	[tilespmem:$0x1FDE0] =	vst v19;
	v19 =	vor.u32 v18, v3;
	v20 =	vld [tilespmem:$0x730];
	v0 =	vsel vm0, v0, v16  }
0xfa: {  	v21 =	vadd.s32 $0xEF, v63;
	v4 =	vshll.u32 v14, $0xB;
	vm0 =	vgt.s32 v0, v19  }
0xfb: {  	[tilespmem:$0x1FDF0] =	vst v22;
	v22 =	vor.u32 v21, v4;
	v23 =	vld [tilespmem:$0x740];
	v0 =	vsel vm0, v0, v19  }
0xfc: {  	v24 =	vadd.s32 $0xDF, v63;
	v2 =	vshll.u32 v17, $0xB;
	vm0 =	vgt.s32 v0, v22  }
0xfd: {  	[tilespmem:$0x1FE00] =	vst v25;
	v25 =	vor.u32 v24, v2;
	v26 =	vld [tilespmem:$0x750];
	v0 =	vsel vm0, v0, v22  }
0xfe: {  	v27 =	vadd.s32 $0xCF, v63;
	v3 =	vshll.u32 v20, $0xB;
	vm0 =	vgt.s32 v0, v25  }
0xff: {  	[tilespmem:$0x1FE10] =	vst v28;
	v28 =	vor.u32 v27, v3;
	v29 =	vld [tilespmem:$0x760];
	v0 =	vsel vm0, v0, v25  }
0x100: {  	v30 =	vadd.s32 $0xBF, v63;
	v4 =	vshll.u32 v23, $0xB;
	vm0 =	vgt.s32 v0, v28  }
0x101: {  	[tilespmem:$0x1FE20] =	vst v31;
	v31 =	vor.u32 v30, v4;
	v32 =	vld [tilespmem:$0x770];
	v0 =	vsel vm0, v0, v28  }
0x102: {  	v33 =	vadd.s32 $0xAF, v63;
	v2 =	vshll.u32 v26, $0xB;
	vm0 =	vgt.s32 v0, v31  }
0x103: {  	[tilespmem:$0x1FE30] =	vst v34;
	v34 =	vor.u32 v33, v2;
	v35 =	vld [tilespmem:$0x780];
	v0 =	vsel vm0, v0, v31  }
0x104: {  	v36 =	vadd.s32 $0x9F, v63;
	v3 =	vshll.u32 v29, $0xB;
	vm0 =	vgt.s32 v0, v34  }
0x105: {  	[tilespmem:$0x1FE40] =	vst v37;
	v37 =	vor.u32 v36, v3;
	v38 =	vld [tilespmem:$0x790];
	v0 =	vsel vm0, v0, v34  }
0x106: {  	v39 =	vadd.s32 $0x8F, v63;
	v4 =	vshll.u32 v32, $0xB;
	vm0 =	vgt.s32 v0, v37  }
0x107: {  	[tilespmem:$0x1FE50] =	vst v40;
	v40 =	vor.u32 v39, v4;
	v41 =	vld [tilespmem:$0x7A0];
	v0 =	vsel vm0, v0, v37  }
0x108: {  	v42 =	vadd.s32 $0x7F, v63;
	v2 =	vshll.u32 v35, $0xB;
	vm0 =	vgt.s32 v0, v40  }
0x109: {  	[tilespmem:$0x1FE60] =	vst v43;
	v43 =	vor.u32 v42, v2;
	v44 =	vld [tilespmem:$0x7B0];
	v0 =	vsel vm0, v0, v40  }
0x10a: {  	v45 =	vadd.s32 $0x6F, v63;
	v3 =	vshll.u32 v38, $0xB;
	vm0 =	vgt.s32 v0, v43  }
0x10b: {  	[tilespmem:$0x1FE70] =	vst v46;
	v46 =	vor.u32 v45, v3;
	v47 =	vld [tilespmem:$0x7C0];
	v0 =	vsel vm0, v0, v43  }
0x10c: {  	v48 =	vadd.s32 $0x5F, v63;
	v4 =	vshll.u32 v41, $0xB;
	vm0 =	vgt.s32 v0, v46  }
0x10d: {  	[tilespmem:$0x1FE80] =	vst v49;
	v49 =	vor.u32 v48, v4;
	v50 =	vld [tilespmem:$0x7D0];
	v0 =	vsel vm0, v0, v46  }
0x10e: {  	v51 =	vadd.s32 $0x4F, v63;
	v2 =	vshll.u32 v44, $0xB;
	vm0 =	vgt.s32 v0, v49  }
0x10f: {  	[tilespmem:$0x1FE90] =	vst v52;
	v52 =	vor.u32 v51, v2;
	v53 =	vld [tilespmem:$0x7E0];
	v0 =	vsel vm0, v0, v49  }
0x110: {  	v54 =	vadd.s32 $0x3F, v63;
	v3 =	vshll.u32 v47, $0xB;
	vm0 =	vgt.s32 v0, v52  }
0x111: {  	[tilespmem:$0x1FEA0] =	vst v55;
	v55 =	vor.u32 v54, v3;
	v56 =	vld [tilespmem:$0x7F0];
	v0 =	vsel vm0, v0, v52  }
0x112: {  	v57 =	vadd.s32 $0x2F, v63;
	v4 =	vshll.u32 v50, $0xB;
	vm0 =	vgt.s32 v0, v55  }
0x113: {  	[tilespmem:$0x1FEB0] =	vst v58;
	v58 =	vor.u32 v57, v4;
	v0 =	vsel vm0, v0, v55  }
0x114: {  	v59 =	vadd.s32 $0x1F, v63;
	v2 =	vshll.u32 v53, $0xB;
	vm0 =	vgt.s32 v0, v58  }
0x115: {  	v60 =	vor.u32 v59, v2;
	v0 =	vsel vm0, v0, v58  }
0x116: {  	[tilespmem:$0x1FEC0] =	vst v61;
	v62 =	vadd.s32 $0xF, v63;
	v61 =	vshll.u32 v56, $0xB;
	vm0 =	vgt.s32 v0, v60  }
0x117: {  	v63 =	vor.u32 v62, v61;
	v0 =	vsel vm0, v0, v60  }
0x118: {  	vm0 =	vgt.s32 v0, v63  }
0x119: {  	v0 =	vsel vm0, v0, v63  }
0x11a: {  	v1 =	vshra.s32 v0, $0x1F  }
0x11b: {  	v0 =	vor.u32 v1, v0  }
0x11c: {  	(v2sf) =	vpush v0, $0x0  }
0x11d: {  	(v2sf) =	vpush v0, $0x1;
	_ =	sdelay $0x1  }
0x11e: {  	(v2sf) =	vpush v0, $0x2;
	_ =	sdelay $0x1  }
0x11f: {  	(v2sf) =	vpush v0, $0x3;
	_ =	sdelay $0x1  }
0x120: {  	(v2sf) =	vpush v0, $0x4;
	_ =	sdelay $0x1  }
0x121: {  	(v2sf) =	vpush v0, $0x5;
	_ =	sdelay $0x1  }
0x122: {  	(v2sf) =	vpush v0, $0x6;
	_ =	sdelay $0x1  }
0x123: {  	(v2sf) =	vpush v0, $0x7;
	_ =	sdelay $0x1  }
0x124: {  	(v2sf) =	vpush v0, $0x8;
	s6 =	spop (v2sf)  }
0x125: {  	s7 =	spop (v2sf)  }
0x126: {  	(v2sf) =	vpush v0, $0x9;
	p0 =	sgt.s32 s6, s7  }
0x127: {  	s7 =	smov.u32 @p0 s6;
	s6 =	spop (v2sf)  }
0x128: {  	(v2sf) =	vpush v0, $0xA;
	p0 =	sgt.s32 s7, s6  }
0x129: {  	s8 =	spop (v2sf);
	s6 =	smov.u32 @p0 s7  }
0x12a: {  	(v2sf) =	vpush v0, $0xB;
	p0 =	sgt.s32 s6, s8  }
0x12b: {  	s7 =	spop (v2sf);
	s8 =	smov.u32 @p0 s6  }
0x12c: {  	(v2sf) =	vpush v0, $0xC;
	p0 =	sgt.s32 s8, s7  }
0x12d: {  	s6 =	spop (v2sf);
	s7 =	smov.u32 @p0 s8  }
0x12e: {  	(v2sf) =	vpush v0, $0xD;
	p0 =	sgt.s32 s7, s6  }
0x12f: {  	s8 =	spop (v2sf);
	s6 =	smov.u32 @p0 s7  }
0x130: {  	(v2sf) =	vpush v0, $0xE;
	p0 =	sgt.s32 s6, s8  }
0x131: {  	s7 =	spop (v2sf);
	s8 =	smov.u32 @p0 s6  }
0x132: {  	(v2sf) =	vpush v0, $0xF;
	p0 =	sgt.s32 s8, s7  }
0x133: {  	s6 =	spop (v2sf);
	s7 =	smov.u32 @p0 s8  }
0x134: {  	p0 =	sgt.s32 s7, s6  }
0x135: {  	s8 =	spop (v2sf);
	s6 =	smov.u32 @p0 s7  }
0x136: {  	[tilespmem:$0x1F800] =	vst v5;
	p0 =	sgt.s32 s6, s8  }
0x137: {  	[tilespmem:$0x1F810] =	vst v6;
	s7 =	spop (v2sf);
	s8 =	smov.u32 @p0 s6  }
0x138: {  	[tilespmem:$0x1FED0] =	vst v9;
	p0 =	sgt.s32 s8, s7  }
0x139: {  	[tilespmem:$0x1FEE0] =	vst v12;
	s6 =	spop (v2sf);
	s7 =	smov.u32 @p0 s8  }
0x13a: {  	[tilespmem:$0x1FEF0] =	vst v15;
	p0 =	sgt.s32 s7, s6  }
0x13b: {  	[tilespmem:$0x1FF00] =	vst v18;
	s8 =	spop (v2sf);
	s6 =	smov.u32 @p0 s7  }
0x13c: {  	[tilespmem:$0x1FF10] =	vst v21;
	p0 =	sgt.s32 s6, s8  }
0x13d: {  	[tilespmem:$0x1FF20] =	vst v24;
	s7 =	spop (v2sf);
	s8 =	smov.u32 @p0 s6  }
0x13e: {  	[tilespmem:$0x1FF30] =	vst v27;
	p0 =	sgt.s32 s8, s7  }
0x13f: {  	[tilespmem:$0x1FF40] =	vst v30;
	s6 =	spop (v2sf);
	s7 =	smov.u32 @p0 s8  }
0x140: {  	[tilespmem:$0x1FF50] =	vst v33;
	p0 =	sgt.s32 s7, s6  }
0x141: {  	s5 =	ssub.s32 $0x2, s5;
	[tilespmem:$0x1FF60] =	vst v36;
	s8 =	spop (v2sf);
	s6 =	smov.u32 @p0 s7  }
0x142: {  	s29 =	sshrl.u32 s5, $0x1;
	[tilespmem:$0x1FF70] =	vst v39;
	p0 =	sgt.s32 s6, s8  }
0x143: {  	s5 =	ssub.s32 s5, s29;
	[tilespmem:$0x1FF80] =	vst v42;
	s8 =	smov.u32 @p0 s6  }
0x144: {  	s5 =	smax.u32 s5, $0x1;
	s28 =	rddreg [dreg:$0x6];
	[tilespmem:$0x1FF90] =	vst v45;
	s8 =	sand.u32 $0x7FF, s8  }
0x145: {  	[tilespmem:$0x1FFA0] =	vst v48;
	p0 =	sne.s32 s5, $0x1;
	s30 =	sor.u32 s28, s8  }
.Ltmp1:
0x146: {  	[tilespmem:$0x1FFB0] =	vst v51;
	s7 =	sxor.u32 $0x7FF, s30;
	(pc) =	sbr.rel @!p0 .LBB2_3-.Ltmp1, $4  }
0x147: {  	s31 =	rddreg [dreg:$0x7];
	[tilespmem:$0x1FFC0] =	vst v54;
	s9 =	sshll.u32 s7, $0x4  }
0x148: {  	[tilespmem:$0x1FFD0] =	vst v57;
	s6 =	rddreg [dreg:$0xa];
	s10 =	sshll.u32 s7, $0x9;
	s9 =	sand.u32 $0x70, s9  }
0x149: {  	[tilespmem:$0x1FFE0] =	vst v59;
	s8 =	rddreg [dreg:$0x8];
	s10 =	sand.u32 $0x1FFF000, s10;
	s9 =	sadd.s32 s31, s9  }
0x14a: {  	[tilespmem:$0x1FFF0] =	vst v62;
	s5 =	sadd.s32 $0xFFFFFFFF, s5;
	s7 =	rddreg [dreg:$0x9];
	s9 =	sadd.s32 s10, s9  }
.LBB2_2:
0x14b: {  	[hbm:s8@s6], [sflag:s7] =	dma.strided [hbm:s9@s4], $0x200, s3, $0x10   }
0x14c: {  	_ =	swait.ge [sflag:s3], $0x200  }
0x14d: {  	s28 =	rddreg [dreg:$0x5];
	[sflag:s3] =	ssyncset.done $0x0  }
0x14e: {  	s29 =	rddreg [dreg:$0x4];
	[sflag:s3] =	ssyncadd.s32 $0xFFFFFE00  }
0x14f: {  	[tilespmem:s2], [sflag:$0x1] =	stream.strided.gather [hbm4b:s29+s4], $0x800, s28, s4, $0x38;
	[tilespmem:$0x800] =	vst v63  }
0x150: {  	_ =	swait.ge [sflag:s3], $0x800  }
0x151: {  	v7 =	vld [tilespmem:$0x1F800]  }
0x152: {  	v11 =	vld [tilespmem:$0x1F810]  }
0x153: {  	v13 =	vld [tilespmem:$0x1F820]  }
0x154: {  	v16 =	vld [tilespmem:$0x1F830]  }
0x155: {  	v19 =	vld [tilespmem:$0x1F840]  }
0x156: {  	v22 =	vld [tilespmem:$0x1F850]  }
0x157: {  	v25 =	vld [tilespmem:$0x1F860]  }
0x158: {  	v28 =	vld [tilespmem:$0x1F870]  }
0x159: {  	v35 =	vld [tilespmem:$0x1F880]  }
0x15a: {  	v37 =	vld [tilespmem:$0x1F890]  }
0x15b: {  	v40 =	vld [tilespmem:$0x1F8A0]  }
0x15c: {  	v44 =	vld [tilespmem:$0x1F8B0]  }
0x15d: {  	v47 =	vld [tilespmem:$0x1F8C0]  }
0x15e: {  	v50 =	vld [tilespmem:$0x1F8D0]  }
0x15f: {  	v52 =	vld [tilespmem:$0x1F8E0]  }
0x160: {  	v55 =	vld [tilespmem:$0x1F8F0]  }
0x161: {  	[sflag:s3] =	ssyncset.done $0x0;
	v58 =	vld [tilespmem:$0x1F900]  }
0x162: {  	v61 =	vld [tilespmem:$0x1F910];
	[sflag:s3] =	ssyncadd.s32 $0xFFFFF800  }
0x163: {  	v0 =	vld [tilespmem:$0x0]  }
0x164: {  	v1 =	vld [tilespmem:$0x10]  }
0x165: {  	v2 =	vld [tilespmem:$0x20]  }
0x166: {  	v3 =	vld [tilespmem:$0x30]  }
0x167: {  	v4 =	vld [tilespmem:$0x40]  }
0x168: {  	v5 =	vld [tilespmem:$0x50]  }
0x169: {  	v6 =	vld [tilespmem:$0x60]  }
0x16a: {  	v12 =	vld [tilespmem:$0x70]  }
0x16b: {  	v8 =	vld [tilespmem:$0x80]  }
0x16c: {  	v15 =	vld [tilespmem:$0x90]  }
0x16d: {  	v9 =	vld [tilespmem:$0xA0]  }
0x16e: {  	v18 =	vld [tilespmem:$0xB0]  }
0x16f: {  	v10 =	vld [tilespmem:$0xC0]  }
0x170: {  	v21 =	vld [tilespmem:$0xD0]  }
0x171: {  	v24 =	vld [tilespmem:$0xF0]  }
0x172: {  	v27 =	vld [tilespmem:$0x110]  }
0x173: {  	v34 =	vld [tilespmem:$0x130]  }
0x174: {  	v36 =	vld [tilespmem:$0x150]  }
0x175: {  	v39 =	vld [tilespmem:$0x170]  }
0x176: {  	v42 =	vld [tilespmem:$0x190]  }
0x177: {  	v43 =	vld [tilespmem:$0x1A0]  }
0x178: {  	v46 =	vld [tilespmem:$0x1B0]  }
0x179: {  	v48 =	vld [tilespmem:$0x1D0]  }
0x17a: {  	v49 =	vld [tilespmem:$0x1E0]  }
0x17b: {  	v51 =	vld [tilespmem:$0x200];
	v0 =	vshll.u32 v0, $0xB;
	v1 =	vshll.u32 v1, $0xB  }
0x17c: {  	v53 =	vld [tilespmem:$0x210];
	v0 =	vor.u32 v7, v0;
	v1 =	vor.u32 v11, v1  }
0x17d: {  	v54 =	vld [tilespmem:$0x220];
	v2 =	vshll.u32 v2, $0xB;
	vm0 =	vgt.s32 v0, v1  }
0x17e: {  	v56 =	vld [tilespmem:$0x230];
	v0 =	vsel vm0, v0, v1;
	v1 =	vor.u32 v13, v2  }
0x17f: {  	v57 =	vld [tilespmem:$0x240];
	v3 =	vshll.u32 v3, $0xB;
	vm0 =	vgt.s32 v0, v1  }
0x180: {  	v59 =	vld [tilespmem:$0x250];
	v0 =	vsel vm0, v0, v1;
	v1 =	vor.u32 v16, v3  }
0x181: {  	v60 =	vld [tilespmem:$0x260];
	v14 =	vshll.u32 v4, $0xB;
	v5 =	vshll.u32 v5, $0xB;
	vm0 =	vgt.s32 v0, v1  }
0x182: {  	v62 =	vld [tilespmem:$0x270];
	v17 =	vshll.u32 v6, $0xB;
	v0 =	vsel vm0, v0, v1;
	v1 =	vor.u32 v19, v14  }
0x183: {  	v63 =	vld [tilespmem:$0x280];
	v20 =	vshll.u32 v8, $0xB;
	v4 =	vshll.u32 v15, $0xB;
	vm0 =	vgt.s32 v0, v1  }
0x184: {  	v23 =	vshll.u32 v9, $0xB;
	v15 =	vld [tilespmem:$0x160];
	v0 =	vsel vm0, v0, v1;
	v1 =	vor.u32 v22, v5  }
0x185: {  	v6 =	vshll.u32 v18, $0xB;
	v26 =	vshll.u32 v10, $0xB;
	v18 =	vld [tilespmem:$0x1C0];
	vm0 =	vgt.s32 v0, v1  }
0x186: {  	v32 =	vshll.u32 v42, $0xB;
	v42 =	vld [tilespmem:$0x2F0];
	v0 =	vsel vm0, v0, v1;
	v1 =	vor.u32 v25, v17  }
0x187: {  	v33 =	vshll.u32 v46, $0xB;
	v46 =	vld [tilespmem:$0x320];
	v7 =	vshll.u32 v12, $0xB;
	vm0 =	vgt.s32 v0, v1  }
0x188: {  	v31 =	vshll.u32 v51, $0xB;
	v51 =	vld [tilespmem:$0x360];
	v0 =	vsel vm0, v0, v1;
	v1 =	vor.u32 v28, v7  }
0x189: {  	v10 =	vshll.u32 v27, $0xB;
	v30 =	vshll.u32 v53, $0xB;
	v53 =	vld [tilespmem:$0x370];
	vm0 =	vgt.s32 v0, v1  }
0x18a: {  	v27 =	vshll.u32 v57, $0xB;
	v57 =	vld [tilespmem:$0x1F9B0];
	v0 =	vsel vm0, v0, v1;
	v1 =	vor.u32 v35, v20  }
0x18b: {  	v9 =	vshll.u32 v24, $0xB;
	v24 =	vshll.u32 v62, $0xB;
	v62 =	vld [tilespmem:$0x3E0];
	vm0 =	vgt.s32 v0, v1  }
0x18c: {  	v11 =	vld [tilespmem:$0xE0];
	v0 =	vsel vm0, v0, v1;
	v1 =	vor.u32 v37, v4  }
0x18d: {  	v12 =	vld [tilespmem:$0x100];
	vm0 =	vgt.s32 v0, v1  }
0x18e: {  	v10 =	vor.u32 v61, v10;
	v61 =	vld [tilespmem:$0x3D0];
	v0 =	vsel vm0, v0, v1;
	v1 =	vor.u32 v40, v23  }
0x18f: {  	v13 =	vld [tilespmem:$0x120];
	vm0 =	vgt.s32 v0, v1  }
0x190: {  	v16 =	vld [tilespmem:$0x180];
	v0 =	vsel vm0, v0, v1;
	v1 =	vor.u32 v44, v6  }
0x191: {  	v2 =	vshll.u32 v48, $0xB;
	v48 =	vld [tilespmem:$0x330];
	v29 =	vshll.u32 v11, $0xB;
	vm0 =	vgt.s32 v0, v1  }
0x192: {  	v11 =	vshll.u32 v34, $0xB;
	v34 =	vld [tilespmem:$0x2A0];
	v0 =	vsel vm0, v0, v1;
	v1 =	vor.u32 v47, v26  }
0x193: {  	v8 =	vshll.u32 v21, $0xB;
	v14 =	vld [tilespmem:$0x140];
	vm0 =	vgt.s32 v0, v1  }
0x194: {  	v19 =	vld [tilespmem:$0x1F0];
	v0 =	vsel vm0, v0, v1;
	v1 =	vor.u32 v50, v8  }
0x195: {  	v12 =	vshll.u32 v12, $0xB;
	v3 =	vshll.u32 v16, $0xB;
	v16 =	vld [tilespmem:$0x1F920];
	vm0 =	vgt.s32 v0, v1  }
0x196: {  	v12 =	vor.u32 v58, v12;
	v58 =	vld [tilespmem:$0x3B0];
	v0 =	vsel vm0, v0, v1;
	v1 =	vor.u32 v52, v29  }
0x197: {  	v38 =	vshll.u32 v13, $0xB;
	v13 =	vshll.u32 v39, $0xB;
	v39 =	vld [tilespmem:$0x2D0];
	vm0 =	vgt.s32 v0, v1  }
0x198: {  	v9 =	vor.u32 v55, v9;
	v17 =	vshll.u32 v36, $0xB;
	v36 =	vld [tilespmem:$0x2B0];
	v20 =	vsel vm0, v0, v1  }
0x199: {  	v21 =	vshll.u32 v34, $0xB;
	v34 =	vld [tilespmem:$0x340];
	vm0 =	vgt.s32 v20, v9  }
0x19a: {  	v4 =	vor.u32 v16, v38;
	v38 =	vld [tilespmem:$0x1F940];
	v9 =	vsel vm0, v20, v9  }
0x19b: {  	v35 =	vld [tilespmem:$0x1F930];
	vm0 =	vgt.s32 v9, v12  }
0x19c: {  	v25 =	vshll.u32 v60, $0xB;
	v60 =	vld [tilespmem:$0x1F9C0];
	v9 =	vsel vm0, v9, v12  }
0x19d: {  	v28 =	vshll.u32 v56, $0xB;
	v56 =	vld [tilespmem:$0x3A0];
	vm0 =	vgt.s32 v9, v10  }
0x19e: {  	v41 =	vshll.u32 v14, $0xB;
	v37 =	vld [tilespmem:$0x2C0];
	v9 =	vsel vm0, v9, v10  }
0x19f: {  	v5 =	vor.u32 v38, v41;
	v41 =	vld [tilespmem:$0x1F950];
	vm0 =	vgt.s32 v9, v4  }
0x1a0: {  	v40 =	vld [tilespmem:$0x2E0];
	v4 =	vsel vm0, v9, v4;
	v9 =	vor.u32 v35, v11  }
0x1a1: {  	v44 =	vld [tilespmem:$0x1F960];
	vm0 =	vgt.s32 v4, v9  }
0x1a2: {  	v23 =	vshll.u32 v63, $0xB;
	v63 =	vld [tilespmem:$0x1F9D0];
	v4 =	vsel vm0, v4, v9  }
0x1a3: {  	v47 =	vld [tilespmem:$0x1F970];
	vm0 =	vgt.s32 v4, v5  }
0x1a4: {  	v26 =	vshll.u32 v59, $0xB;
	v59 =	vld [tilespmem:$0x3C0];
	v4 =	vsel vm0, v4, v5;
	v5 =	vor.u32 v41, v17  }
0x1a5: {  	v45 =	vshll.u32 v15, $0xB;
	v1 =	vshll.u32 v49, $0xB;
	v49 =	vld [tilespmem:$0x1F980];
	vm0 =	vgt.s32 v4, v5  }
0x1a6: {  	v8 =	vshll.u32 v43, $0xB;
	v43 =	vld [tilespmem:$0x300];
	v4 =	vsel vm0, v4, v5;
	v5 =	vor.u32 v44, v45  }
0x1a7: {  	v52 =	vld [tilespmem:$0x1F990];
	vm0 =	vgt.s32 v4, v5  }
0x1a8: {  	v50 =	vld [tilespmem:$0x350];
	v4 =	vsel vm0, v4, v5;
	v5 =	vor.u32 v47, v13  }
0x1a9: {  	v29 =	vshll.u32 v54, $0xB;
	v54 =	vld [tilespmem:$0x1F9A0];
	vm0 =	vgt.s32 v4, v5  }
0x1aa: {  	v0 =	vshll.u32 v19, $0xB;
	v19 =	vld [tilespmem:$0x290];
	v3 =	vor.u32 v49, v3;
	v4 =	vsel vm0, v4, v5  }
0x1ab: {  	v20 =	vshll.u32 v36, $0xB;
	v36 =	vld [tilespmem:$0x3F0];
	vm0 =	vgt.s32 v4, v3  }
0x1ac: {  	v45 =	vld [tilespmem:$0x310];
	v3 =	vsel vm0, v4, v3;
	v4 =	vor.u32 v52, v32  }
0x1ad: {  	v12 =	vshll.u32 v48, $0xB;
	v48 =	vld [tilespmem:$0x1F9F0];
	vm0 =	vgt.s32 v3, v4  }
0x1ae: {  	v49 =	vld [tilespmem:$0x430];
	v3 =	vsel vm0, v3, v4;
	v4 =	vor.u32 v54, v8  }
0x1af: {  	v15 =	vshll.u32 v43, $0xB;
	v10 =	vshll.u32 v50, $0xB;
	v50 =	vld [tilespmem:$0x440];
	vm0 =	vgt.s32 v3, v4  }
0x1b0: {  	v43 =	vshll.u32 v36, $0xB;
	v36 =	vld [tilespmem:$0x1FA50];
	v3 =	vsel vm0, v3, v4;
	v4 =	vor.u32 v57, v33  }
0x1b1: {  	v7 =	vshll.u32 v18, $0xB;
	v14 =	vshll.u32 v45, $0xB;
	v45 =	vld [tilespmem:$0x1F9E0];
	vm0 =	vgt.s32 v3, v4  }
0x1b2: {  	v35 =	vld [tilespmem:$0x380];
	v3 =	vsel vm0, v3, v4;
	v4 =	vor.u32 v60, v7  }
0x1b3: {  	v11 =	vshll.u32 v34, $0xB;
	v34 =	vld [tilespmem:$0x4E0];
	vm0 =	vgt.s32 v3, v4  }
0x1b4: {  	v2 =	vor.u32 v63, v2;
	v9 =	vshll.u32 v51, $0xB;
	v51 =	vld [tilespmem:$0x1FA00];
	v3 =	vsel vm0, v3, v4  }
0x1b5: {  	v22 =	vshll.u32 v19, $0xB;
	v19 =	vshll.u32 v37, $0xB;
	v44 =	vld [tilespmem:$0x4A0];
	vm0 =	vgt.s32 v3, v2  }
0x1b6: {  	v13 =	vshll.u32 v46, $0xB;
	v46 =	vld [tilespmem:$0x410];
	v1 =	vor.u32 v45, v1;
	v37 =	vsel vm0, v3, v2  }
0x1b7: {  	v47 =	vld [tilespmem:$0x420];
	vm0 =	vgt.s32 v37, v1  }
0x1b8: {  	v38 =	vor.u32 v48, v0;
	v5 =	vshll.u32 v56, $0xB;
	v56 =	vld [tilespmem:$0x1FA40];
	v37 =	vsel vm0, v37, v1  }
0x1b9: {  	v52 =	vld [tilespmem:$0x450];
	vm0 =	vgt.s32 v37, v38  }
0x1ba: {  	v31 =	vor.u32 v51, v31;
	v54 =	vld [tilespmem:$0x1FA10];
	v37 =	vsel vm0, v37, v38  }
0x1bb: {  	v32 =	vld [tilespmem:$0x1FA70];
	vm0 =	vgt.s32 v37, v31  }
0x1bc: {  	v31 =	vsel vm0, v37, v31;
	v37 =	vld [tilespmem:$0x1FA20]  }
0x1bd: {  	v16 =	vshll.u32 v42, $0xB;
	v42 =	vshll.u32 v62, $0xB;
	v62 =	vshll.u32 v47, $0xB;
	v47 =	vld [tilespmem:$0x4C0]  }
0x1be: {  	v45 =	vld [tilespmem:$0x1FA30]  }
0x1bf: {  	v8 =	vshll.u32 v53, $0xB;
	v53 =	vld [tilespmem:$0x460];
	v30 =	vor.u32 v54, v30  }
0x1c0: {  	v4 =	vld [tilespmem:$0x400];
	vm0 =	vgt.s32 v31, v30  }
0x1c1: {  	v18 =	vshll.u32 v39, $0xB;
	v38 =	vld [tilespmem:$0x490];
	v30 =	vsel vm0, v31, v30;
	v29 =	vor.u32 v37, v29  }
0x1c2: {  	v39 =	vshll.u32 v58, $0xB;
	v7 =	vshll.u32 v35, $0xB;
	v35 =	vld [tilespmem:$0x1FA60];
	vm0 =	vgt.s32 v30, v29  }
0x1c3: {  	v26 =	vor.u32 v36, v26;
	v28 =	vor.u32 v45, v28;
	v37 =	vld [tilespmem:$0x4F0];
	v29 =	vsel vm0, v30, v29  }
0x1c4: {  	v60 =	vshll.u32 v50, $0xB;
	v50 =	vshll.u32 v34, $0xB;
	v34 =	vld [tilespmem:$0x540];
	vm0 =	vgt.s32 v29, v28  }
0x1c5: {  	v27 =	vor.u32 v56, v27;
	v63 =	vshll.u32 v4, $0xB;
	v4 =	vld [tilespmem:$0x480];
	v28 =	vsel vm0, v29, v28  }
0x1c6: {  	v58 =	vshll.u32 v53, $0xB;
	v53 =	vshll.u32 v38, $0xB;
	v38 =	vld [tilespmem:$0x500];
	vm0 =	vgt.s32 v28, v27  }
0x1c7: {  	v57 =	vshll.u32 v52, $0xB;
	v54 =	vshll.u32 v44, $0xB;
	v44 =	vld [tilespmem:$0x1FAA0];
	v27 =	vsel vm0, v28, v27  }
0x1c8: {  	v52 =	vshll.u32 v47, $0xB;
	v47 =	vshll.u32 v37, $0xB;
	v37 =	vld [tilespmem:$0x1FA80];
	vm0 =	vgt.s32 v27, v26  }
0x1c9: {  	v17 =	vshll.u32 v40, $0xB;
	v25 =	vor.u32 v35, v25;
	v35 =	vld [tilespmem:$0x1FA90];
	v26 =	vsel vm0, v27, v26  }
0x1ca: {  	v40 =	vshll.u32 v59, $0xB;
	v56 =	vshll.u32 v4, $0xB;
	v4 =	vld [tilespmem:$0x4D0];
	vm0 =	vgt.s32 v26, v25  }
0x1cb: {  	v24 =	vor.u32 v32, v24;
	v48 =	vshll.u32 v38, $0xB;
	v38 =	vld [tilespmem:$0x550];
	v25 =	vsel vm0, v26, v25  }
0x1cc: {  	v41 =	vshll.u32 v61, $0xB;
	v59 =	vshll.u32 v49, $0xB;
	vm0 =	vgt.s32 v25, v24  }
0x1cd: {  	v61 =	vshll.u32 v46, $0xB;
	v46 =	vld [tilespmem:$0x4B0];
	v23 =	vor.u32 v37, v23;
	v24 =	vsel vm0, v25, v24  }
0x1ce: {  	v21 =	vor.u32 v44, v21;
	v44 =	vshll.u32 v34, $0xB;
	v34 =	vld [tilespmem:$0x1FAB0];
	vm0 =	vgt.s32 v24, v23  }
0x1cf: {  	v22 =	vor.u32 v35, v22;
	v49 =	vshll.u32 v4, $0xB;
	v4 =	vld [tilespmem:$0x520];
	v23 =	vsel vm0, v24, v23  }
0x1d0: {  	v28 =	vshll.u32 v38, $0xB;
	v38 =	vld [tilespmem:$0x1FAC0];
	vm0 =	vgt.s32 v23, v22  }
0x1d1: {  	v22 =	vsel vm0, v23, v22  }
0x1d2: {  	vm0 =	vgt.s32 v22, v21  }
0x1d3: {  	v20 =	vor.u32 v34, v20;
	v21 =	vsel vm0, v22, v21  }
0x1d4: {  	v51 =	vshll.u32 v46, $0xB;
	vm0 =	vgt.s32 v21, v20  }
0x1d5: {  	v46 =	vshll.u32 v4, $0xB;
	v4 =	vld [tilespmem:$0x590];
	v19 =	vor.u32 v38, v19;
	v20 =	vsel vm0, v21, v20  }
0x1d6: {  	v37 =	vld [tilespmem:$0x580];
	vm0 =	vgt.s32 v20, v19  }
0x1d7: {  	v19 =	vsel vm0, v20, v19;
	v20 =	vld [tilespmem:$0x1FAD0];
	_ =	sdelay $0x2  }
0x1d8: {  	v32 =	vld [tilespmem:$0x560]  }
0x1d9: {  	v34 =	vld [tilespmem:$0x1FAF0]  }
0x1da: {  	v26 =	vshll.u32 v37, $0xB;
	v37 =	vshll.u32 v4, $0xB;
	v4 =	vld [tilespmem:$0x5E0];
	v18 =	vor.u32 v20, v18  }
0x1db: {  	v25 =	vld [tilespmem:$0x610];
	vm0 =	vgt.s32 v19, v18  }
0x1dc: {  	v18 =	vsel vm0, v19, v18;
	v19 =	vld [tilespmem:$0x1FAE0]  }
0x1dd: {  	v22 =	vld [tilespmem:$0x600]  }
0x1de: {  	v23 =	vld [tilespmem:$0x1FB00]  }
0x1df: {  	v16 =	vor.u32 v34, v16;
	v34 =	vshll.u32 v4, $0xB;
	v4 =	vld [tilespmem:$0x630];
	_ =	sdelay $0x1  }
0x1e0: {  	v27 =	vshll.u32 v32, $0xB;
	v17 =	vor.u32 v19, v17  }
0x1e1: {  	v32 =	vshll.u32 v22, $0xB;
	v22 =	vshll.u32 v25, $0xB;
	v25 =	vld [tilespmem:$0x1FB10];
	vm0 =	vgt.s32 v18, v17  }
0x1e2: {  	v17 =	vsel vm0, v18, v17  }
0x1e3: {  	v15 =	vor.u32 v23, v15;
	v23 =	vshll.u32 v4, $0xB;
	v4 =	vld [tilespmem:$0x1FB20];
	vm0 =	vgt.s32 v17, v16  }
0x1e4: {  	v16 =	vsel vm0, v17, v16  }
0x1e5: {  	vm0 =	vgt.s32 v16, v15  }
0x1e6: {  	v14 =	vor.u32 v25, v14;
	v15 =	vsel vm0, v16, v15  }
0x1e7: {  	vm0 =	vgt.s32 v15, v14  }
0x1e8: {  	v13 =	vor.u32 v4, v13;
	v14 =	vsel vm0, v15, v14  }
0x1e9: {  	vm0 =	vgt.s32 v14, v13  }
0x1ea: {  	v13 =	vsel vm0, v14, v13;
	v14 =	vld [tilespmem:$0x1FB30];
	_ =	sdelay $0x1  }
0x1eb: {  	v4 =	vld [tilespmem:$0x1FB40];
	_ =	sdelay $0x2  }
0x1ec: {  	v12 =	vor.u32 v14, v12  }
0x1ed: {  	vm0 =	vgt.s32 v13, v12  }
0x1ee: {  	v11 =	vor.u32 v4, v11;
	v12 =	vsel vm0, v13, v12  }
0x1ef: {  	vm0 =	vgt.s32 v12, v11  }
0x1f0: {  	v11 =	vsel vm0, v12, v11;
	v12 =	vld [tilespmem:$0x1FB50];
	_ =	sdelay $0x1  }
0x1f1: {  	v4 =	vld [tilespmem:$0x1FB60];
	_ =	sdelay $0x2  }
0x1f2: {  	v10 =	vor.u32 v12, v10  }
0x1f3: {  	vm0 =	vgt.s32 v11, v10  }
0x1f4: {  	v9 =	vor.u32 v4, v9;
	v10 =	vsel vm0, v11, v10  }
0x1f5: {  	vm0 =	vgt.s32 v10, v9  }
0x1f6: {  	v9 =	vsel vm0, v10, v9;
	v10 =	vld [tilespmem:$0x1FB70];
	_ =	sdelay $0x4  }
0x1f7: {  	v4 =	vor.u32 v10, v8;
	v10 =	vld [tilespmem:$0x1FB80];
	_ =	sdelay $0x3  }
0x1f8: {  	v55 =	vld [tilespmem:$0x390];
	vm0 =	vgt.s32 v9, v4  }
0x1f9: {  	v9 =	vsel vm0, v9, v4;
	v4 =	vor.u32 v10, v7;
	v7 =	vld [tilespmem:$0x1FB90];
	_ =	sdelay $0x3  }
0x1fa: {  	v6 =	vshll.u32 v55, $0xB;
	vm0 =	vgt.s32 v9, v4  }
0x1fb: {  	v9 =	vsel vm0, v9, v4;
	v6 =	vor.u32 v7, v6  }
0x1fc: {  	v12 =	vld [tilespmem:$0x6F0];
	vm0 =	vgt.s32 v9, v6  }
0x1fd: {  	v6 =	vsel vm0, v9, v6;
	v9 =	vld [tilespmem:$0x1FBA0]  }
0x1fe: {  	v2 =	vld [tilespmem:$0x720];
	_ =	sdelay $0x2  }
0x1ff: {  	v8 =	vshll.u32 v12, $0xB  }
0x200: {  	[tilespmem:$0x1F7D0] =	vst v8;
	v8 =	vld [tilespmem:$0x760];
	v5 =	vor.u32 v9, v5  }
0x201: {  	v10 =	vshll.u32 v2, $0xB;
	v2 =	vld [tilespmem:$0x770];
	vm0 =	vgt.s32 v6, v5  }
0x202: {  	v5 =	vsel vm0, v6, v5;
	v6 =	vld [tilespmem:$0x1FBB0];
	_ =	sdelay $0x3  }
0x203: {  	v0 =	vld [tilespmem:$0x730]  }
0x204: {  	v4 =	vld [tilespmem:$0x780];
	v6 =	vor.u32 v6, v39;
	v39 =	vshll.u32 v8, $0xB;
	v8 =	vshll.u32 v2, $0xB  }
0x205: {  	[tilespmem:$0x1F7F0] =	vst v8;
	v8 =	vld [tilespmem:$0x1FBC0];
	_ =	sdelay $0x3  }
0x206: {  	v0 =	vshll.u32 v0, $0xB  }
0x207: {  	[tilespmem:$0x1F7E0] =	vst v0;
	v0 =	vor.u32 v8, v40;
	v40 =	vshll.u32 v4, $0xB;
	v4 =	vld [tilespmem:$0x1FBD0];
	_ =	sdelay $0x1  }
0x208: {  	vm0 =	vgt.s32 v5, v6  }
0x209: {  	v1 =	vld [tilespmem:$0x750];
	v6 =	vsel vm0, v5, v6  }
0x20a: {  	vm0 =	vgt.s32 v6, v0  }
0x20b: {  	v0 =	vsel vm0, v6, v0;
	v41 =	vor.u32 v4, v41  }
0x20c: {  	vm0 =	vgt.s32 v0, v41  }
0x20d: {  	v41 =	vsel vm0, v0, v41;
	v0 =	vld [tilespmem:$0x1FBE0]  }
0x20e: {  	v9 =	vshll.u32 v1, $0xB;
	v1 =	vld [tilespmem:$0x7B0]  }
0x20f: {  	v8 =	vld [tilespmem:$0x7D0];
	_ =	sdelay $0x2  }
0x210: {  	v42 =	vor.u32 v0, v42  }
0x211: {  	v7 =	vld [tilespmem:$0x7A0];
	vm0 =	vgt.s32 v41, v42  }
0x212: {  	v4 =	vshll.u32 v1, $0xB;
	v1 =	vshll.u32 v8, $0xB;
	v8 =	vsel vm0, v41, v42;
	v41 =	vld [tilespmem:$0x1FBF0];
	_ =	sdelay $0x1  }
0x213: {  	v3 =	vld [tilespmem:$0x790];
	_ =	sdelay $0x1  }
0x214: {  	v6 =	vshll.u32 v7, $0xB;
	v7 =	vld [tilespmem:$0x7F0]  }
0x215: {  	v42 =	vor.u32 v41, v43;
	v43 =	vld [tilespmem:$0x1FC00]  }
0x216: {  	v2 =	vld [tilespmem:$0x7C0]  }
0x217: {  	v5 =	vshll.u32 v3, $0xB;
	v3 =	vld [tilespmem:$0x7E0];
	_ =	sdelay $0x1  }
0x218: {  	vm0 =	vgt.s32 v8, v42  }
0x219: {  	v41 =	vshll.u32 v7, $0xB;
	v42 =	vsel vm0, v8, v42;
	v7 =	vor.u32 v43, v63  }
0x21a: {  	vm0 =	vgt.s32 v42, v7  }
0x21b: {  	v0 =	vshll.u32 v2, $0xB;
	v2 =	vshll.u32 v3, $0xB;
	v3 =	vsel vm0, v42, v7;
	v42 =	vld [tilespmem:$0x1FC10];
	_ =	sdelay $0x1  }
0x21c: {  	v43 =	vld [tilespmem:$0x1FC20];
	_ =	sdelay $0x2  }
0x21d: {  	v7 =	vor.u32 v42, v61;
	v61 =	vld [tilespmem:$0x1FC30]  }
0x21e: {  	vm0 =	vgt.s32 v3, v7  }
0x21f: {  	v3 =	vsel vm0, v3, v7;
	v7 =	vor.u32 v43, v62;
	v62 =	vld [tilespmem:$0x1FC40];
	_ =	sdelay $0x1  }
0x220: {  	v63 =	vld [tilespmem:$0x1FC50];
	vm0 =	vgt.s32 v3, v7  }
0x221: {  	v3 =	vsel vm0, v3, v7;
	v7 =	vor.u32 v61, v59  }
0x222: {  	v42 =	vld [tilespmem:$0x1FC60];
	vm0 =	vgt.s32 v3, v7  }
0x223: {  	v55 =	vld [tilespmem:$0x470];
	v3 =	vsel vm0, v3, v7;
	v7 =	vor.u32 v62, v60  }
0x224: {  	v43 =	vld [tilespmem:$0x1FC70];
	vm0 =	vgt.s32 v3, v7  }
0x225: {  	v3 =	vsel vm0, v3, v7;
	v7 =	vor.u32 v63, v57  }
0x226: {  	v57 =	vld [tilespmem:$0x1FC80];
	vm0 =	vgt.s32 v3, v7  }
0x227: {  	v3 =	vsel vm0, v3, v7;
	v7 =	vor.u32 v42, v58  }
0x228: {  	v55 =	vshll.u32 v55, $0xB;
	v58 =	vld [tilespmem:$0x1FC90];
	vm0 =	vgt.s32 v3, v7  }
0x229: {  	v3 =	vsel vm0, v3, v7;
	v7 =	vor.u32 v43, v55  }
0x22a: {  	v59 =	vld [tilespmem:$0x1FCA0];
	vm0 =	vgt.s32 v3, v7  }
0x22b: {  	v3 =	vsel vm0, v3, v7;
	v7 =	vor.u32 v57, v56  }
0x22c: {  	v60 =	vld [tilespmem:$0x1FCB0];
	vm0 =	vgt.s32 v3, v7  }
0x22d: {  	v3 =	vsel vm0, v3, v7;
	v7 =	vor.u32 v58, v53  }
0x22e: {  	v61 =	vld [tilespmem:$0x1FCC0];
	vm0 =	vgt.s32 v3, v7  }
0x22f: {  	v3 =	vsel vm0, v3, v7;
	v7 =	vor.u32 v59, v54  }
0x230: {  	v62 =	vld [tilespmem:$0x1FCD0];
	vm0 =	vgt.s32 v3, v7  }
0x231: {  	v3 =	vsel vm0, v3, v7;
	v7 =	vor.u32 v60, v51  }
0x232: {  	v63 =	vld [tilespmem:$0x1FCE0];
	vm0 =	vgt.s32 v3, v7  }
0x233: {  	v3 =	vsel vm0, v3, v7;
	v7 =	vor.u32 v61, v52  }
0x234: {  	v42 =	vld [tilespmem:$0x1FCF0];
	vm0 =	vgt.s32 v3, v7  }
0x235: {  	v3 =	vsel vm0, v3, v7;
	v7 =	vor.u32 v62, v49  }
0x236: {  	v43 =	vld [tilespmem:$0x1FD00];
	vm0 =	vgt.s32 v3, v7  }
0x237: {  	v3 =	vsel vm0, v3, v7;
	v7 =	vor.u32 v63, v50  }
0x238: {  	v36 =	vld [tilespmem:$0x510];
	vm0 =	vgt.s32 v3, v7  }
0x239: {  	v3 =	vsel vm0, v3, v7;
	v7 =	vor.u32 v42, v47;
	v47 =	vld [tilespmem:$0x1FD10]  }
0x23a: {  	vm0 =	vgt.s32 v3, v7  }
0x23b: {  	v3 =	vsel vm0, v3, v7;
	v7 =	vor.u32 v43, v48;
	v48 =	vld [tilespmem:$0x1FD20]  }
0x23c: {  	v33 =	vld [tilespmem:$0x530]  }
0x23d: {  	v45 =	vshll.u32 v36, $0xB;
	v49 =	vld [tilespmem:$0x1FD30];
	vm0 =	vgt.s32 v3, v7  }
0x23e: {  	v3 =	vsel vm0, v3, v7;
	v7 =	vor.u32 v47, v45  }
0x23f: {  	v50 =	vld [tilespmem:$0x1FD40];
	vm0 =	vgt.s32 v3, v7  }
0x240: {  	v3 =	vsel vm0, v3, v7;
	v7 =	vor.u32 v48, v46  }
0x241: {  	v29 =	vshll.u32 v33, $0xB;
	v51 =	vld [tilespmem:$0x1FD50];
	vm0 =	vgt.s32 v3, v7  }
0x242: {  	v3 =	vsel vm0, v3, v7;
	v7 =	vor.u32 v49, v29  }
0x243: {  	v52 =	vld [tilespmem:$0x1FD60];
	vm0 =	vgt.s32 v3, v7  }
0x244: {  	v36 =	vld [tilespmem:$0x570];
	v3 =	vsel vm0, v3, v7;
	v7 =	vor.u32 v50, v44  }
0x245: {  	v53 =	vld [tilespmem:$0x1FD70];
	vm0 =	vgt.s32 v3, v7  }
0x246: {  	v3 =	vsel vm0, v3, v7;
	v7 =	vor.u32 v51, v28  }
0x247: {  	v54 =	vld [tilespmem:$0x1FD80];
	vm0 =	vgt.s32 v3, v7  }
0x248: {  	v3 =	vsel vm0, v3, v7;
	v7 =	vor.u32 v52, v27  }
0x249: {  	v30 =	vshll.u32 v36, $0xB;
	v55 =	vld [tilespmem:$0x1FD90];
	vm0 =	vgt.s32 v3, v7  }
0x24a: {  	v33 =	vld [tilespmem:$0x5A0];
	v3 =	vsel vm0, v3, v7;
	v7 =	vor.u32 v53, v30  }
0x24b: {  	v56 =	vld [tilespmem:$0x1FDA0];
	vm0 =	vgt.s32 v3, v7  }
0x24c: {  	v35 =	vld [tilespmem:$0x5B0];
	v3 =	vsel vm0, v3, v7;
	v7 =	vor.u32 v54, v26  }
0x24d: {  	v57 =	vld [tilespmem:$0x1FDB0];
	vm0 =	vgt.s32 v3, v7  }
0x24e: {  	v24 =	vld [tilespmem:$0x5C0];
	v3 =	vsel vm0, v3, v7;
	v7 =	vor.u32 v55, v37  }
0x24f: {  	v38 =	vshll.u32 v33, $0xB;
	v58 =	vld [tilespmem:$0x1FDC0];
	vm0 =	vgt.s32 v3, v7  }
0x250: {  	v21 =	vld [tilespmem:$0x5D0];
	v3 =	vsel vm0, v3, v7;
	v7 =	vor.u32 v56, v38  }
0x251: {  	v35 =	vshll.u32 v35, $0xB;
	v59 =	vld [tilespmem:$0x1FDD0];
	vm0 =	vgt.s32 v3, v7  }
0x252: {  	v3 =	vsel vm0, v3, v7;
	v7 =	vor.u32 v57, v35  }
0x253: {  	v36 =	vshll.u32 v24, $0xB;
	v60 =	vld [tilespmem:$0x1FDE0];
	vm0 =	vgt.s32 v3, v7  }
0x254: {  	v31 =	vld [tilespmem:$0x5F0];
	v3 =	vsel vm0, v3, v7;
	v7 =	vor.u32 v58, v36  }
0x255: {  	v33 =	vshll.u32 v21, $0xB;
	v61 =	vld [tilespmem:$0x1FDF0];
	vm0 =	vgt.s32 v3, v7  }
0x256: {  	v3 =	vsel vm0, v3, v7;
	v7 =	vor.u32 v59, v33  }
0x257: {  	v62 =	vld [tilespmem:$0x1FE00];
	vm0 =	vgt.s32 v3, v7  }
0x258: {  	v24 =	vld [tilespmem:$0x650];
	v3 =	vsel vm0, v3, v7;
	v7 =	vor.u32 v60, v34  }
0x259: {  	v31 =	vshll.u32 v31, $0xB;
	v63 =	vld [tilespmem:$0x1FE10];
	vm0 =	vgt.s32 v3, v7  }
0x25a: {  	v21 =	vld [tilespmem:$0x620];
	v3 =	vsel vm0, v3, v7;
	v7 =	vor.u32 v61, v31  }
0x25b: {  	v26 =	vld [tilespmem:$0x1FE20];
	vm0 =	vgt.s32 v3, v7  }
0x25c: {  	v20 =	vld [tilespmem:$0x640];
	v3 =	vsel vm0, v3, v7;
	v7 =	vor.u32 v62, v32  }
0x25d: {  	v27 =	vld [tilespmem:$0x1FE30];
	vm0 =	vgt.s32 v3, v7  }
0x25e: {  	v16 =	vld [tilespmem:$0x670];
	v3 =	vsel vm0, v3, v7;
	v7 =	vor.u32 v63, v22  }
0x25f: {  	v21 =	vshll.u32 v21, $0xB;
	v28 =	vld [tilespmem:$0x1FE40];
	vm0 =	vgt.s32 v3, v7  }
0x260: {  	v19 =	vld [tilespmem:$0x660];
	v3 =	vsel vm0, v3, v7;
	v7 =	vor.u32 v26, v21  }
0x261: {  	v29 =	vld [tilespmem:$0x1FE50];
	vm0 =	vgt.s32 v3, v7  }
0x262: {  	v25 =	vshll.u32 v24, $0xB;
	v14 =	vld [tilespmem:$0x6B0];
	v3 =	vsel vm0, v3, v7;
	v7 =	vor.u32 v27, v23  }
0x263: {  	v20 =	vshll.u32 v20, $0xB;
	v24 =	vshll.u32 v16, $0xB;
	v30 =	vld [tilespmem:$0x1FE60];
	vm0 =	vgt.s32 v3, v7  }
0x264: {  	[tilespmem:$0x1F7B0] =	vst v24;
	v31 =	vld [tilespmem:$0x1FE70];
	v3 =	vsel vm0, v3, v7;
	v7 =	vor.u32 v28, v20  }
0x265: {  	v32 =	vld [tilespmem:$0x1F7B0];
	vm0 =	vgt.s32 v3, v7  }
0x266: {  	v18 =	vld [tilespmem:$0x680];
	v3 =	vsel vm0, v3, v7;
	v7 =	vor.u32 v29, v25  }
0x267: {  	v19 =	vshll.u32 v19, $0xB;
	v33 =	vld [tilespmem:$0x1FE80];
	vm0 =	vgt.s32 v3, v7  }
0x268: {  	v15 =	vld [tilespmem:$0x690];
	v3 =	vsel vm0, v3, v7;
	v7 =	vor.u32 v30, v19  }
0x269: {  	v34 =	vld [tilespmem:$0x1FE90];
	vm0 =	vgt.s32 v3, v7  }
0x26a: {  	v17 =	vld [tilespmem:$0x6A0];
	v14 =	vshll.u32 v14, $0xB;
	v3 =	vsel vm0, v3, v7;
	v7 =	vor.u32 v31, v32  }
0x26b: {  	v24 =	vshll.u32 v18, $0xB;
	[tilespmem:$0x1F7C0] =	vst v14;
	v35 =	vld [tilespmem:$0x1FEA0];
	vm0 =	vgt.s32 v3, v7  }
0x26c: {  	v37 =	vld [tilespmem:$0x1F7C0];
	v3 =	vsel vm0, v3, v7;
	v7 =	vor.u32 v33, v24  }
0x26d: {  	v18 =	vshll.u32 v15, $0xB;
	v36 =	vld [tilespmem:$0x1FEB0];
	vm0 =	vgt.s32 v3, v7  }
0x26e: {  	v16 =	vld [tilespmem:$0x6C0];
	v3 =	vsel vm0, v3, v7;
	v7 =	vor.u32 v34, v18  }
0x26f: {  	v17 =	vshll.u32 v17, $0xB;
	v38 =	vld [tilespmem:$0x1FEC0];
	vm0 =	vgt.s32 v3, v7  }
0x270: {  	v13 =	vld [tilespmem:$0x6D0];
	v3 =	vsel vm0, v3, v7;
	v7 =	vor.u32 v35, v17  }
0x271: {  	v42 =	vld [tilespmem:$0x1FED0];
	vm0 =	vgt.s32 v3, v7  }
0x272: {  	v15 =	vld [tilespmem:$0x6E0];
	v3 =	vsel vm0, v3, v7;
	v7 =	vor.u32 v36, v37  }
0x273: {  	v16 =	vshll.u32 v16, $0xB;
	v43 =	vld [tilespmem:$0x1FEE0];
	vm0 =	vgt.s32 v3, v7  }
0x274: {  	v45 =	vld [tilespmem:$0x1F7D0];
	v3 =	vsel vm0, v3, v7;
	v7 =	vor.u32 v38, v16  }
0x275: {  	v13 =	vshll.u32 v13, $0xB;
	v44 =	vld [tilespmem:$0x1FEF0];
	vm0 =	vgt.s32 v3, v7  }
0x276: {  	v14 =	vld [tilespmem:$0x700];
	v3 =	vsel vm0, v3, v7;
	v7 =	vor.u32 v42, v13  }
0x277: {  	v15 =	vshll.u32 v15, $0xB;
	v46 =	vld [tilespmem:$0x1FF00];
	vm0 =	vgt.s32 v3, v7  }
0x278: {  	v11 =	vld [tilespmem:$0x710];
	v3 =	vsel vm0, v3, v7;
	v7 =	vor.u32 v43, v15  }
0x279: {  	v47 =	vld [tilespmem:$0x1FF10];
	vm0 =	vgt.s32 v3, v7  }
0x27a: {  	v3 =	vsel vm0, v3, v7;
	v7 =	vor.u32 v44, v45  }
0x27b: {  	v14 =	vshll.u32 v14, $0xB;
	v48 =	vld [tilespmem:$0x1FF20];
	vm0 =	vgt.s32 v3, v7  }
0x27c: {  	v49 =	vld [tilespmem:$0x1FF30];
	v3 =	vsel vm0, v3, v7;
	v7 =	vor.u32 v46, v14  }
0x27d: {  	v11 =	vshll.u32 v11, $0xB;
	v50 =	vld [tilespmem:$0x1F7E0];
	vm0 =	vgt.s32 v3, v7  }
0x27e: {  	v12 =	vld [tilespmem:$0x740];
	v3 =	vsel vm0, v3, v7;
	v7 =	vor.u32 v47, v11  }
0x27f: {  	v51 =	vld [tilespmem:$0x1FF40];
	vm0 =	vgt.s32 v3, v7  }
0x280: {  	v3 =	vsel vm0, v3, v7;
	v7 =	vor.u32 v48, v10  }
0x281: {  	v52 =	vld [tilespmem:$0x1FF50];
	vm0 =	vgt.s32 v3, v7  }
0x282: {  	v3 =	vsel vm0, v3, v7;
	v7 =	vor.u32 v49, v50  }
0x283: {  	v12 =	vshll.u32 v12, $0xB;
	v53 =	vld [tilespmem:$0x1FF60];
	vm0 =	vgt.s32 v3, v7  }
0x284: {  	v54 =	vld [tilespmem:$0x1FF70];
	v3 =	vsel vm0, v3, v7;
	v7 =	vor.u32 v51, v12  }
0x285: {  	v55 =	vld [tilespmem:$0x1F7F0];
	vm0 =	vgt.s32 v3, v7  }
0x286: {  	v3 =	vsel vm0, v3, v7;
	v7 =	vor.u32 v52, v9  }
0x287: {  	v56 =	vld [tilespmem:$0x1FF80];
	vm0 =	vgt.s32 v3, v7  }
0x288: {  	v3 =	vsel vm0, v3, v7;
	v7 =	vor.u32 v53, v39  }
0x289: {  	v57 =	vld [tilespmem:$0x1FF90];
	vm0 =	vgt.s32 v3, v7  }
0x28a: {  	v3 =	vsel vm0, v3, v7;
	v7 =	vor.u32 v54, v55  }
0x28b: {  	v58 =	vld [tilespmem:$0x1FFA0];
	vm0 =	vgt.s32 v3, v7  }
0x28c: {  	v3 =	vsel vm0, v3, v7;
	v7 =	vor.u32 v56, v40  }
0x28d: {  	v59 =	vld [tilespmem:$0x1FFB0];
	vm0 =	vgt.s32 v3, v7  }
0x28e: {  	v5 =	vor.u32 v57, v5;
	v3 =	vsel vm0, v3, v7  }
0x28f: {  	v60 =	vld [tilespmem:$0x1FFC0];
	vm0 =	vgt.s32 v3, v5  }
0x290: {  	v3 =	vsel vm0, v3, v5;
	v5 =	vor.u32 v58, v6  }
0x291: {  	v61 =	vld [tilespmem:$0x1FFD0];
	vm0 =	vgt.s32 v3, v5  }
0x292: {  	v4 =	vor.u32 v59, v4;
	v3 =	vsel vm0, v3, v5  }
0x293: {  	v62 =	vld [tilespmem:$0x1FFE0];
	vm0 =	vgt.s32 v3, v4  }
0x294: {  	v0 =	vor.u32 v60, v0;
	v3 =	vsel vm0, v3, v4  }
0x295: {  	v63 =	vld [tilespmem:$0x1FFF0];
	vm0 =	vgt.s32 v3, v0  }
0x296: {  	v1 =	vor.u32 v61, v1;
	v0 =	vsel vm0, v3, v0  }
0x297: {  	vm0 =	vgt.s32 v0, v1  }
0x298: {  	v0 =	vsel vm0, v0, v1;
	v1 =	vor.u32 v62, v2  }
0x299: {  	vm0 =	vgt.s32 v0, v1  }
0x29a: {  	v0 =	vsel vm0, v0, v1;
	v1 =	vor.u32 v63, v41  }
0x29b: {  	vm0 =	vgt.s32 v0, v1  }
0x29c: {  	v0 =	vsel vm0, v0, v1  }
0x29d: {  	v1 =	vshra.s32 v0, $0x1F  }
0x29e: {  	v0 =	vor.u32 v1, v0  }
0x29f: {  	(v2sf) =	vpush v0, $0x0  }
0x2a0: {  	(v2sf) =	vpush v0, $0x1;
	_ =	sdelay $0x1  }
0x2a1: {  	(v2sf) =	vpush v0, $0x2;
	_ =	sdelay $0x1  }
0x2a2: {  	(v2sf) =	vpush v0, $0x3;
	_ =	sdelay $0x1  }
0x2a3: {  	(v2sf) =	vpush v0, $0x4;
	_ =	sdelay $0x1  }
0x2a4: {  	(v2sf) =	vpush v0, $0x5;
	_ =	sdelay $0x1  }
0x2a5: {  	(v2sf) =	vpush v0, $0x6;
	_ =	sdelay $0x1  }
0x2a6: {  	(v2sf) =	vpush v0, $0x7;
	_ =	sdelay $0x1  }
0x2a7: {  	(v2sf) =	vpush v0, $0x8;
	s6 =	spop (v2sf)  }
0x2a8: {  	s7 =	spop (v2sf)  }
0x2a9: {  	(v2sf) =	vpush v0, $0x9;
	p1 =	sgt.s32 s6, s7  }
0x2aa: {  	s7 =	smov.u32 @p1 s6;
	s6 =	spop (v2sf)  }
0x2ab: {  	(v2sf) =	vpush v0, $0xA;
	p1 =	sgt.s32 s7, s6  }
0x2ac: {  	s8 =	spop (v2sf);
	s6 =	smov.u32 @p1 s7  }
0x2ad: {  	(v2sf) =	vpush v0, $0xB;
	p1 =	sgt.s32 s6, s8  }
0x2ae: {  	s7 =	spop (v2sf);
	s8 =	smov.u32 @p1 s6  }
0x2af: {  	(v2sf) =	vpush v0, $0xC;
	p1 =	sgt.s32 s8, s7  }
0x2b0: {  	s6 =	spop (v2sf);
	s7 =	smov.u32 @p1 s8  }
0x2b1: {  	(v2sf) =	vpush v0, $0xD;
	p1 =	sgt.s32 s7, s6  }
0x2b2: {  	s8 =	spop (v2sf);
	s6 =	smov.u32 @p1 s7  }
0x2b3: {  	(v2sf) =	vpush v0, $0xE;
	p1 =	sgt.s32 s6, s8  }
0x2b4: {  	s7 =	spop (v2sf);
	s8 =	smov.u32 @p1 s6  }
0x2b5: {  	(v2sf) =	vpush v0, $0xF;
	p1 =	sgt.s32 s8, s7  }
0x2b6: {  	s6 =	spop (v2sf);
	s7 =	smov.u32 @p1 s8  }
0x2b7: {  	p1 =	sgt.s32 s7, s6  }
0x2b8: {  	s8 =	spop (v2sf);
	s6 =	smov.u32 @p1 s7  }
0x2b9: {  	p1 =	sgt.s32 s6, s8  }
0x2ba: {  	s7 =	spop (v2sf);
	s8 =	smov.u32 @p1 s6  }
0x2bb: {  	p1 =	sgt.s32 s8, s7  }
0x2bc: {  	s6 =	spop (v2sf);
	s7 =	smov.u32 @p1 s8  }
0x2bd: {  	p1 =	sgt.s32 s7, s6  }
0x2be: {  	s8 =	spop (v2sf);
	s6 =	smov.u32 @p1 s7  }
0x2bf: {  	p1 =	sgt.s32 s6, s8  }
0x2c0: {  	s7 =	spop (v2sf);
	s8 =	smov.u32 @p1 s6  }
0x2c1: {  	p1 =	sgt.s32 s8, s7  }
0x2c2: {  	s6 =	spop (v2sf);
	s7 =	smov.u32 @p1 s8  }
0x2c3: {  	p1 =	sgt.s32 s7, s6  }
0x2c4: {  	s8 =	spop (v2sf);
	s6 =	smov.u32 @p1 s7  }
0x2c5: {  	p1 =	sgt.s32 s6, s8  }
0x2c6: {  	s8 =	smov.u32 @p1 s6  }
0x2c7: {  	s30 =	rddreg [dreg:$0x6];
	s8 =	sand.u32 $0x7FF, s8  }
0x2c8: {  	p0 =	sne.s32 s5, $0x1;
	s7 =	sor.u32 s30, s8  }
.Ltmp2:
0x2c9: {  	s8 =	sxor.u32 $0x7FF, s7;
	(pc) =	sbr.rel @p0 .LBB2_2-.Ltmp2, $4  }
0x2ca: {  	s31 =	rddreg [dreg:$0x7];
	s11 =	sshll.u32 s8, $0x4  }
0x2cb: {  	s6 =	rddreg [dreg:$0xa];
	s10 =	sshll.u32 s8, $0x9;
	s11 =	sand.u32 $0x70, s11  }
0x2cc: {  	s7 =	rddreg [dreg:$0x9];
	s10 =	sand.u32 $0x1FFF000, s10;
	s9 =	sadd.s32 s31, s11  }
0x2cd: {  	s5 =	sadd.s32 $0xFFFFFFFF, s5;
	s8 =	rddreg [dreg:$0x8];
	s9 =	sadd.s32 s10, s9  }
.LBB2_3:
0x2ce: {  	[hbm:s8@s6], [sflag:s7] =	dma.strided [hbm:s9@s4], $0x200, s3, $0x10   }
0x2cf: {  	_ =	swait.ge [sflag:s3], $0x200  }
0x2d0: {  	[sflag:s3] =	ssyncset.done $0x0  }
0x2d1: {  	[sflag:s3] =	ssyncadd.s32 $0xFFFFFE00  }
.LBB2_4:
0x2d2: {  	_ =	sfence.sel $0x180000  }
0x2d3: {  	[bflag:$0x0] =	sbarrier.arrive $0xFFFF  }
0x2d4: {  	p0 =	sne.s32 s1, $0x0;
	_ =	strace $0x90000047  }
0x2d5: {  	s0 =	sadd.s32 @!p0 $0x100000, s0;
	[bflag:$0x2] =	sbarrier.arrive $0xFFFF  }
0x2d6: {  	[sflag:s0] =	ssyncadd.tile.s32 @!p0 $0x1;
	_ =	shalt  }
.Lfunc_end2:
_tile_overlayer_lowered:
.L_overlay_start_2:
0x2d7: {  	(tag) =	ssettag $0x2  }
0x2d8: {  	s0 =	rddreg [dreg:$0x0];
	s2 =	stileid.u32  }
0x2d9: {  	s1 =	rddreg [dreg:$0x1];
	p0 =	sne.s32 s2, $0x0  }
0x2da: {  	s3 =	rddreg [dreg:$0x2];
	[bflag:$0x3] =	sbarrier.arrive $0xFFFF;
	s2 =	simm.s32 @!p0 $0x1C01  }
0x2db: {  	[timem:s3], [sflag:s2] =	dma.local @!p0 [hbm:s0], s1  }
0x2dc: {  	s0 =	simm.s32 @!p0 $0x1  }
0x2dd: {  	_ =	swait.ge @!p0 [sflag:s0], s1  }
0x2de: {  	s1 =	ssub.s32 @!p0 $0x0, s1;
	[sflag:s0] =	ssyncset.done @!p0 $0x0  }
0x2df: {  	[sflag:s0] =	ssyncadd.s32 @!p0 s1  }
0x2e0: {  	[bflag:$0x3] =	sbarrier.arrive $0xFFFF  }
0x2e1: {  	_ =	shalt  }

</sc_bundles>
